<compile_context>
chip_gen: v7x
topology: tpu7x:2x2x1
jax: 0.10.2.dev20260603
libtpu: 0.0.44.dev20260713+nightly
codegen_flags: <defaults>
</compile_context>

<pallas_src>
import jax
import jax.numpy as jnp
from jax import lax
from jax.experimental import pallas as pl
from jax.experimental.pallas import tpu as pltpu
from jax.experimental.pallas import tpu_sc as plsc

NUM_BANDS = 32
B, V, D = 1024, 10475, 3
S, M = 8192, 4096
VW = V * D
OW = (S + NUM_BANDS) * D
NC, NS = 2, 16
NW = NC * NS
NB_PER = B // NW
ACCW = 16 * NUM_BANDS * D


def _body(verts_hbm, seg_hbm, bv_hbm, bid_hbm, out_hbm,
          slab, outb, seg_v, bv_v, bid_v, inv_v, acc, dsem, osem):
    wid = lax.axis_index("s") * NC + lax.axis_index("c")

    pltpu.sync_copy(seg_hbm, seg_v)
    pltpu.sync_copy(bv_hbm, bv_v)
    pltpu.sync_copy(bid_hbm, bid_v)

    lanes = lax.iota(jnp.int32, 16)
    lane_base = lanes * (NUM_BANDS * D)
    zeros16 = jnp.zeros((16,), jnp.float32)
    ones16 = jnp.ones((16,), jnp.float32)

    def zero_acc():
        def zbody(i, _):
            acc[pl.ds(pl.multiple_of(i * 16, 16), 16)] = zeros16
            return 0
        lax.fori_loop(0, ACCW // 16, zbody, 0)

    zero_acc()

    def cnt_body(j, _):
        bid = bid_v[pl.ds(pl.multiple_of(j * 16, 16), 16)]
        dst = lane_base + bid * 3
        for c in range(3):
            plsc.addupdate_scatter(acc, [dst + c], ones16)
        return 0
    lax.fori_loop(0, M // 16, cnt_body, 0)

    for g in range(NUM_BANDS * D // 16):
        s = zeros16
        for r in range(16):
            s = s + acc[pl.ds(r * (NUM_BANDS * D) + g * 16, 16)]
        inv_v[pl.ds(g * 16, 16)] = 1.0 / jnp.maximum(s, 1.0)

    def batch_body(bi, _):
        b = wid * NB_PER + bi
        pltpu.sync_copy(verts_hbm.at[b], slab)
        zero_acc()

        def seg_body(j, _):
            v = seg_v[pl.ds(pl.multiple_of(j * 16, 16), 16)]
            src = v * 3
            dst = j * 48 + lanes * 3
            for c in range(3):
                x = plsc.load_gather(slab, [src + c])
                plsc.store_scatter(outb, [dst + c], x)
            return 0
        lax.fori_loop(0, S // 16, seg_body, 0)

        def band_body(j, _):
            bv = bv_v[pl.ds(pl.multiple_of(j * 16, 16), 16)]
            bid = bid_v[pl.ds(pl.multiple_of(j * 16, 16), 16)]
            src = bv * 3
            dst = lane_base + bid * 3
            for c in range(3):
                x = plsc.load_gather(slab, [src + c])
                plsc.addupdate_scatter(acc, [dst + c], x)
            return 0
        lax.fori_loop(0, M // 16, band_body, 0)

        for g in range(NUM_BANDS * D // 16):
            s = zeros16
            for r in range(16):
                s = s + acc[pl.ds(r * (NUM_BANDS * D) + g * 16, 16)]
            outb[pl.ds(S * 3 + g * 16, 16)] = s * inv_v[pl.ds(g * 16, 16)]

        pltpu.sync_copy(outb, out_hbm.at[b])
        return 0
    lax.fori_loop(0, NB_PER, batch_body, 0)


@jax.jit
def kernel(vertices, segment_vidx, band_vidx, band_ids):
    verts2 = vertices.reshape(B, VW)
    mesh = plsc.VectorSubcoreMesh(core_axis_name="c", subcore_axis_name="s")
    out2 = pl.kernel(
        _body,
        out_type=jax.ShapeDtypeStruct((B, OW), jnp.float32),
        mesh=mesh,
        compiler_params=pltpu.CompilerParams(needs_layout_passes=False),
        scratch_types=[
            pltpu.VMEM((VW,), jnp.float32),
            pltpu.VMEM((OW,), jnp.float32),
            pltpu.VMEM((S,), jnp.int32),
            pltpu.VMEM((M,), jnp.int32),
            pltpu.VMEM((M,), jnp.int32),
            pltpu.VMEM((NUM_BANDS * D,), jnp.float32),
            pltpu.VMEM((ACCW,), jnp.float32),
            pltpu.SemaphoreType.DMA,
            pltpu.SemaphoreType.DMA,
        ],
    )(verts2, segment_vidx, band_vidx, band_ids)
    return out2.reshape(B, S + NUM_BANDS, D)

# --- scband reference (transcript-rebuilt; emitter-appended) ---
"""Pipeline reference for scband-batch-body-segment-9921374454198 (READ-ONLY COPY).

The authoritative reference and input builder live on the scoring server;
editing this copy changes nothing except your own understanding.
"""

import jax, jax.numpy as jnp
import numpy as np

NUM_BANDS = 32
B, V, D = 1024, 10475, 3
S, M = 8192, 4096

def setup_inputs(seed: int = 0) -> dict:
    key = jax.random.key(seed)
    k1, k2, k3, k4 = jax.random.split(key, 4)
    vertices = jax.random.normal(k1, (B, V, D), dtype=jnp.float32)
    segment_vidx = jax.random.randint(k2, (S,), 0, V, dtype=jnp.int32)
    band_vidx = jax.random.randint(k3, (M,), 0, V, dtype=jnp.int32)
    band_ids = jnp.sort(jax.random.randint(k4, (M,), 0, NUM_BANDS, dtype=jnp.int32))
    return {"vertices": vertices, "segment_vidx": segment_vidx, "band_vidx": band_vidx, "band_ids": band_ids}

def reference(vertices, segment_vidx, band_vidx, band_ids):
    # segm_verts = vertices[:, segment_vidx, :]  (gather of segment vertices)
    segm_verts = jnp.take(vertices, segment_vidx, axis=1)
    # band closure: mean of each band's vertices -> one closing vertex per band
    # (equivalent to torch.mean(vertices[:, bv, :], 1) per band, expressed as a segment reduce)
    band_verts = jnp.take(vertices, band_vidx, axis=1)  # [B, M, D]
    sums = jax.vmap(lambda v: jax.ops.segment_sum(v, band_ids, num_segments=NUM_BANDS))(band_verts)  # [B, NB, D]
    counts = jax.ops.segment_sum(jnp.ones((band_ids.shape[0],), dtype=vertices.dtype), band_ids, num_segments=NUM_BANDS)
    means = sums / jnp.maximum(counts, 1.0)[None, :, None]
    # concat gathered segment vertices with band-closure centers (as in get_closed_segment)
    out = jnp.concatenate([segm_verts, means], axis=1)  # [B, S + NB, D]
    return out

if __name__ == "__main__":
    import jax
    _d = setup_inputs()
    print(jax.jit(kernel)(*tuple(_d.values())))

</pallas_src>

<mosaic_0001>
#map = affine_map<(d0, d1) -> (0, 0)>
#map1 = affine_map<(d0, d1) -> (0)>
module attributes {stable_mosaic.version = 14 : i64} {
  func.func @_body(%arg0: i32, %arg1: i32, %arg2: memref<1024x31425xf32, #tpu.memory_space<hbm>>, %arg3: memref<8192xi32, #tpu.memory_space<hbm>>, %arg4: memref<4096xi32, #tpu.memory_space<hbm>>, %arg5: memref<4096xi32, #tpu.memory_space<hbm>>, %arg6: memref<1024x24672xf32, #tpu.memory_space<hbm>>, %arg7: memref<31425xf32, #tpu.memory_space<vmem>>, %arg8: memref<24672xf32, #tpu.memory_space<vmem>>, %arg9: memref<8192xi32, #tpu.memory_space<vmem>>, %arg10: memref<4096xi32, #tpu.memory_space<vmem>>, %arg11: memref<4096xi32, #tpu.memory_space<vmem>>, %arg12: memref<96xf32, #tpu.memory_space<vmem>>, %arg13: memref<1536xf32, #tpu.memory_space<vmem>>, %arg14: memref<!tpu.dma_semaphore, #tpu.memory_space<semaphore_mem>>, %arg15: memref<!tpu.dma_semaphore, #tpu.memory_space<semaphore_mem>>) attributes {dimension_semantics = [#tpu.dimension_semantics<core_parallel>, #tpu.dimension_semantics<subcore_parallel>], iteration_bounds = array<i64: 2, 16>, scalar_prefetch = 0 : i64, scratch_operands = 9 : i64, tpu.core_type = #tpu.core_type<sc_vector_subcore>, window_params = [{transform_indices = #map}, {transform_indices = #map1}, {transform_indices = #map1}, {transform_indices = #map1}, {transform_indices = #map}]} {
    %mul3A = arith.constant 2 : i32
    %mul3A_0 = arith.muli %arg1, %mul3A : i32
    %add3A = arith.addi %mul3A_0, %arg0 : i32
    "tpu.region"() ({
      %run_scoped3A = tpu.sem_alloc : memref<!tpu.dma_semaphore, #tpu.memory_space<semaphore_mem>>
      tpu.enqueue_dma source(%arg3 : memref<8192xi32, #tpu.memory_space<hbm>>) target(%arg9 : memref<8192xi32, #tpu.memory_space<vmem>>) target_semaphore(%run_scoped3A : memref<!tpu.dma_semaphore, #tpu.memory_space<semaphore_mem>>)
      tpu.wait_dma2 semaphore(%run_scoped3A : memref<!tpu.dma_semaphore, #tpu.memory_space<semaphore_mem>>) src(%arg3 : memref<8192xi32, #tpu.memory_space<hbm>>) dst(%arg9 : memref<8192xi32, #tpu.memory_space<vmem>>)
      tpu.yield
    }) : () -> ()
    "tpu.region"() ({
      %run_scoped3A = tpu.sem_alloc : memref<!tpu.dma_semaphore, #tpu.memory_space<semaphore_mem>>
      tpu.enqueue_dma source(%arg4 : memref<4096xi32, #tpu.memory_space<hbm>>) target(%arg10 : memref<4096xi32, #tpu.memory_space<vmem>>) target_semaphore(%run_scoped3A : memref<!tpu.dma_semaphore, #tpu.memory_space<semaphore_mem>>)
      tpu.wait_dma2 semaphore(%run_scoped3A : memref<!tpu.dma_semaphore, #tpu.memory_space<semaphore_mem>>) src(%arg4 : memref<4096xi32, #tpu.memory_space<hbm>>) dst(%arg10 : memref<4096xi32, #tpu.memory_space<vmem>>)
      tpu.yield
    }) : () -> ()
    "tpu.region"() ({
      %run_scoped3A = tpu.sem_alloc : memref<!tpu.dma_semaphore, #tpu.memory_space<semaphore_mem>>
      tpu.enqueue_dma source(%arg5 : memref<4096xi32, #tpu.memory_space<hbm>>) target(%arg11 : memref<4096xi32, #tpu.memory_space<vmem>>) target_semaphore(%run_scoped3A : memref<!tpu.dma_semaphore, #tpu.memory_space<semaphore_mem>>)
      tpu.wait_dma2 semaphore(%run_scoped3A : memref<!tpu.dma_semaphore, #tpu.memory_space<semaphore_mem>>) src(%arg5 : memref<4096xi32, #tpu.memory_space<hbm>>) dst(%arg11 : memref<4096xi32, #tpu.memory_space<vmem>>)
      tpu.yield
    }) : () -> ()
    %iota3A = tpu.iota {dimensions = array<i32: 0>} : vector<16xi32>
    %mul3A_1 = arith.constant 96 : i32
    %mul3A_2 = vector.broadcast %mul3A_1 : i32 to vector<16xi32>
    %mul3A_3 = arith.muli %iota3A, %mul3A_2 : vector<16xi32>
    %broadcast_in_dim3A = arith.constant 0.000000e+00 : f32
    %broadcast_in_dim3A_4 = vector.broadcast %broadcast_in_dim3A : f32 to vector<16xf32>
    %broadcast_in_dim3A_5 = arith.constant 1.000000e+00 : f32
    %broadcast_in_dim3A_6 = vector.broadcast %broadcast_in_dim3A_5 : f32 to vector<16xf32>
    %scan3A = arith.constant 0 : i32
    %scan3A_7 = arith.constant 0 : i32
    %scan3A_8 = arith.constant 96 : i32
    %scan3A_9 = arith.addi %scan3A_7, %scan3A_8 : i32
    %scan3A_10 = arith.constant 1 : i32
    %scan3A_11 = scf.for %scan3A_359 = %scan3A_7 to %scan3A_9 step %scan3A_10 iter_args(%scan3A_360 = %scan3A) -> (i32)  : i32 {
      %mul3A_361 = arith.constant 16 : i32
      %mul3A_362 = arith.muli %scan3A_359, %mul3A_361 : i32
      %multiple_of3A = tpu.assume_multiple %mul3A_362, 16 : i32
      %swap3A_363 = arith.index_cast %multiple_of3A : i32 to index
      %swap3A_364 = tpu.vector_load %arg13[%swap3A_363] {strides = array<i32>} : memref<1536xf32, #tpu.memory_space<vmem>>, vector<16xf32>,
      tpu.vector_store %arg13[%swap3A_363], %broadcast_in_dim3A_4 {strides = array<i32>} : memref<1536xf32, #tpu.memory_space<vmem>>, vector<16xf32>,
      %scan3A_365 = arith.constant 0 : i32
      scf.yield %scan3A_365 : i32
    }
    %scan3A_12 = arith.constant 96 : i32
    %scan3A_13 = arith.constant 0 : i32
    %scan3A_14 = arith.constant 0 : i32
    %scan3A_15 = arith.constant 256 : i32
    %scan3A_16 = arith.addi %scan3A_14, %scan3A_15 : i32
    %scan3A_17 = arith.constant 1 : i32
    %scan3A_18 = scf.for %scan3A_359 = %scan3A_14 to %scan3A_16 step %scan3A_17 iter_args(%scan3A_360 = %scan3A_13) -> (i32)  : i32 {
      %mul3A_361 = arith.constant 16 : i32
      %mul3A_362 = arith.muli %scan3A_359, %mul3A_361 : i32
      %multiple_of3A = tpu.assume_multiple %mul3A_362, 16 : i32
      %get3A_363 = arith.index_cast %multiple_of3A : i32 to index
      %get3A_364 = tpu.vector_load %arg11[%get3A_363] {strides = array<i32>} : memref<4096xi32, #tpu.memory_space<vmem>>, vector<16xi32>,
      %mul3A_365 = arith.constant 3 : i32
      %mul3A_366 = vector.broadcast %mul3A_365 : i32 to vector<16xi32>
      %mul3A_367 = arith.muli %get3A_364, %mul3A_366 : vector<16xi32>
      %add3A_368 = arith.addi %mul3A_3, %mul3A_367 : vector<16xi32>
      %add3A_369 = arith.constant 0 : i32
      %add3A_370 = vector.broadcast %add3A_369 : i32 to vector<16xi32>
      %add3A_371 = arith.addi %add3A_368, %add3A_370 : vector<16xi32>
      tpu.vector_store_idx %arg13[%add3A_371], %broadcast_in_dim3A_6 {add = true} : memref<1536xf32, #tpu.memory_space<vmem>>[vector<16xi32>], vector<16xf32>,
      %add3A_372 = arith.constant 1 : i32
      %add3A_373 = vector.broadcast %add3A_372 : i32 to vector<16xi32>
      %add3A_374 = arith.addi %add3A_368, %add3A_373 : vector<16xi32>
      tpu.vector_store_idx %arg13[%add3A_374], %broadcast_in_dim3A_6 {add = true} : memref<1536xf32, #tpu.memory_space<vmem>>[vector<16xi32>], vector<16xf32>,
      %add3A_375 = arith.constant 2 : i32
      %add3A_376 = vector.broadcast %add3A_375 : i32 to vector<16xi32>
      %add3A_377 = arith.addi %add3A_368, %add3A_376 : vector<16xi32>
      tpu.vector_store_idx %arg13[%add3A_377], %broadcast_in_dim3A_6 {add = true} : memref<1536xf32, #tpu.memory_space<vmem>>[vector<16xi32>], vector<16xf32>,
      %scan3A_378 = arith.constant 0 : i32
      scf.yield %scan3A_378 : i32
    }
    %scan3A_19 = arith.constant 256 : i32
    %get3A = arith.constant 0 : index
    %get3A_20 = tpu.vector_load %arg13[%get3A] {strides = array<i32>} : memref<1536xf32, #tpu.memory_space<vmem>>, vector<16xf32>,
    %add3A_21 = arith.addf %broadcast_in_dim3A_4, %get3A_20 : vector<16xf32>
    %get3A_22 = arith.constant 96 : index
    %get3A_23 = tpu.vector_load %arg13[%get3A_22] {strides = array<i32>} : memref<1536xf32, #tpu.memory_space<vmem>>, vector<16xf32>,
    %add3A_24 = arith.addf %add3A_21, %get3A_23 : vector<16xf32>
    %get3A_25 = arith.constant 192 : index
    %get3A_26 = tpu.vector_load %arg13[%get3A_25] {strides = array<i32>} : memref<1536xf32, #tpu.memory_space<vmem>>, vector<16xf32>,
    %add3A_27 = arith.addf %add3A_24, %get3A_26 : vector<16xf32>
    %get3A_28 = arith.constant 288 : index
    %get3A_29 = tpu.vector_load %arg13[%get3A_28] {strides = array<i32>} : memref<1536xf32, #tpu.memory_space<vmem>>, vector<16xf32>,
    %add3A_30 = arith.addf %add3A_27, %get3A_29 : vector<16xf32>
    %get3A_31 = arith.constant 384 : index
    %get3A_32 = tpu.vector_load %arg13[%get3A_31] {strides = array<i32>} : memref<1536xf32, #tpu.memory_space<vmem>>, vector<16xf32>,
    %add3A_33 = arith.addf %add3A_30, %get3A_32 : vector<16xf32>
    %get3A_34 = arith.constant 480 : index
    %get3A_35 = tpu.vector_load %arg13[%get3A_34] {strides = array<i32>} : memref<1536xf32, #tpu.memory_space<vmem>>, vector<16xf32>,
    %add3A_36 = arith.addf %add3A_33, %get3A_35 : vector<16xf32>
    %get3A_37 = arith.constant 576 : index
    %get3A_38 = tpu.vector_load %arg13[%get3A_37] {strides = array<i32>} : memref<1536xf32, #tpu.memory_space<vmem>>, vector<16xf32>,
    %add3A_39 = arith.addf %add3A_36, %get3A_38 : vector<16xf32>
    %get3A_40 = arith.constant 672 : index
    %get3A_41 = tpu.vector_load %arg13[%get3A_40] {strides = array<i32>} : memref<1536xf32, #tpu.memory_space<vmem>>, vector<16xf32>,
    %add3A_42 = arith.addf %add3A_39, %get3A_41 : vector<16xf32>
    %get3A_43 = arith.constant 768 : index
    %get3A_44 = tpu.vector_load %arg13[%get3A_43] {strides = array<i32>} : memref<1536xf32, #tpu.memory_space<vmem>>, vector<16xf32>,
    %add3A_45 = arith.addf %add3A_42, %get3A_44 : vector<16xf32>
    %get3A_46 = arith.constant 864 : index
    %get3A_47 = tpu.vector_load %arg13[%get3A_46] {strides = array<i32>} : memref<1536xf32, #tpu.memory_space<vmem>>, vector<16xf32>,
    %add3A_48 = arith.addf %add3A_45, %get3A_47 : vector<16xf32>
    %get3A_49 = arith.constant 960 : index
    %get3A_50 = tpu.vector_load %arg13[%get3A_49] {strides = array<i32>} : memref<1536xf32, #tpu.memory_space<vmem>>, vector<16xf32>,
    %add3A_51 = arith.addf %add3A_48, %get3A_50 : vector<16xf32>
    %get3A_52 = arith.constant 1056 : index
    %get3A_53 = tpu.vector_load %arg13[%get3A_52] {strides = array<i32>} : memref<1536xf32, #tpu.memory_space<vmem>>, vector<16xf32>,
    %add3A_54 = arith.addf %add3A_51, %get3A_53 : vector<16xf32>
    %get3A_55 = arith.constant 1152 : index
    %get3A_56 = tpu.vector_load %arg13[%get3A_55] {strides = array<i32>} : memref<1536xf32, #tpu.memory_space<vmem>>, vector<16xf32>,
    %add3A_57 = arith.addf %add3A_54, %get3A_56 : vector<16xf32>
    %get3A_58 = arith.constant 1248 : index
    %get3A_59 = tpu.vector_load %arg13[%get3A_58] {strides = array<i32>} : memref<1536xf32, #tpu.memory_space<vmem>>, vector<16xf32>,
    %add3A_60 = arith.addf %add3A_57, %get3A_59 : vector<16xf32>
    %get3A_61 = arith.constant 1344 : index
    %get3A_62 = tpu.vector_load %arg13[%get3A_61] {strides = array<i32>} : memref<1536xf32, #tpu.memory_space<vmem>>, vector<16xf32>,
    %add3A_63 = arith.addf %add3A_60, %get3A_62 : vector<16xf32>
    %get3A_64 = arith.constant 1440 : index
    %get3A_65 = tpu.vector_load %arg13[%get3A_64] {strides = array<i32>} : memref<1536xf32, #tpu.memory_space<vmem>>, vector<16xf32>,
    %add3A_66 = arith.addf %add3A_63, %get3A_65 : vector<16xf32>
    %max3A = arith.constant 1.000000e+00 : f32
    %max3A_67 = vector.broadcast %max3A : f32 to vector<16xf32>
    %max3A_68 = arith.maximumf %add3A_66, %max3A_67 : vector<16xf32>
    %div3A = arith.constant 1.000000e+00 : f32
    %div3A_69 = vector.broadcast %div3A : f32 to vector<16xf32>
    %div3A_70 = arith.divf %div3A_69, %max3A_68 : vector<16xf32>
    %swap3A = arith.constant 0 : index
    %swap3A_71 = tpu.vector_load %arg12[%swap3A] {strides = array<i32>} : memref<96xf32, #tpu.memory_space<vmem>>, vector<16xf32>,
    tpu.vector_store %arg12[%swap3A], %div3A_70 {strides = array<i32>} : memref<96xf32, #tpu.memory_space<vmem>>, vector<16xf32>,
    %get3A_72 = arith.constant 16 : index
    %get3A_73 = tpu.vector_load %arg13[%get3A_72] {strides = array<i32>} : memref<1536xf32, #tpu.memory_space<vmem>>, vector<16xf32>,
    %add3A_74 = arith.addf %broadcast_in_dim3A_4, %get3A_73 : vector<16xf32>
    %get3A_75 = arith.constant 112 : index
    %get3A_76 = tpu.vector_load %arg13[%get3A_75] {strides = array<i32>} : memref<1536xf32, #tpu.memory_space<vmem>>, vector<16xf32>,
    %add3A_77 = arith.addf %add3A_74, %get3A_76 : vector<16xf32>
    %get3A_78 = arith.constant 208 : index
    %get3A_79 = tpu.vector_load %arg13[%get3A_78] {strides = array<i32>} : memref<1536xf32, #tpu.memory_space<vmem>>, vector<16xf32>,
    %add3A_80 = arith.addf %add3A_77, %get3A_79 : vector<16xf32>
    %get3A_81 = arith.constant 304 : index
    %get3A_82 = tpu.vector_load %arg13[%get3A_81] {strides = array<i32>} : memref<1536xf32, #tpu.memory_space<vmem>>, vector<16xf32>,
    %add3A_83 = arith.addf %add3A_80, %get3A_82 : vector<16xf32>
    %get3A_84 = arith.constant 400 : index
    %get3A_85 = tpu.vector_load %arg13[%get3A_84] {strides = array<i32>} : memref<1536xf32, #tpu.memory_space<vmem>>, vector<16xf32>,
    %add3A_86 = arith.addf %add3A_83, %get3A_85 : vector<16xf32>
    %get3A_87 = arith.constant 496 : index
    %get3A_88 = tpu.vector_load %arg13[%get3A_87] {strides = array<i32>} : memref<1536xf32, #tpu.memory_space<vmem>>, vector<16xf32>,
    %add3A_89 = arith.addf %add3A_86, %get3A_88 : vector<16xf32>
    %get3A_90 = arith.constant 592 : index
    %get3A_91 = tpu.vector_load %arg13[%get3A_90] {strides = array<i32>} : memref<1536xf32, #tpu.memory_space<vmem>>, vector<16xf32>,
    %add3A_92 = arith.addf %add3A_89, %get3A_91 : vector<16xf32>
    %get3A_93 = arith.constant 688 : index
    %get3A_94 = tpu.vector_load %arg13[%get3A_93] {strides = array<i32>} : memref<1536xf32, #tpu.memory_space<vmem>>, vector<16xf32>,
    %add3A_95 = arith.addf %add3A_92, %get3A_94 : vector<16xf32>
    %get3A_96 = arith.constant 784 : index
    %get3A_97 = tpu.vector_load %arg13[%get3A_96] {strides = array<i32>} : memref<1536xf32, #tpu.memory_space<vmem>>, vector<16xf32>,
    %add3A_98 = arith.addf %add3A_95, %get3A_97 : vector<16xf32>
    %get3A_99 = arith.constant 880 : index
    %get3A_100 = tpu.vector_load %arg13[%get3A_99] {strides = array<i32>} : memref<1536xf32, #tpu.memory_space<vmem>>, vector<16xf32>,
    %add3A_101 = arith.addf %add3A_98, %get3A_100 : vector<16xf32>
    %get3A_102 = arith.constant 976 : index
    %get3A_103 = tpu.vector_load %arg13[%get3A_102] {strides = array<i32>} : memref<1536xf32, #tpu.memory_space<vmem>>, vector<16xf32>,
    %add3A_104 = arith.addf %add3A_101, %get3A_103 : vector<16xf32>
    %get3A_105 = arith.constant 1072 : index
    %get3A_106 = tpu.vector_load %arg13[%get3A_105] {strides = array<i32>} : memref<1536xf32, #tpu.memory_space<vmem>>, vector<16xf32>,
    %add3A_107 = arith.addf %add3A_104, %get3A_106 : vector<16xf32>
    %get3A_108 = arith.constant 1168 : index
    %get3A_109 = tpu.vector_load %arg13[%get3A_108] {strides = array<i32>} : memref<1536xf32, #tpu.memory_space<vmem>>, vector<16xf32>,
    %add3A_110 = arith.addf %add3A_107, %get3A_109 : vector<16xf32>
    %get3A_111 = arith.constant 1264 : index
    %get3A_112 = tpu.vector_load %arg13[%get3A_111] {strides = array<i32>} : memref<1536xf32, #tpu.memory_space<vmem>>, vector<16xf32>,
    %add3A_113 = arith.addf %add3A_110, %get3A_112 : vector<16xf32>
    %get3A_114 = arith.constant 1360 : index
    %get3A_115 = tpu.vector_load %arg13[%get3A_114] {strides = array<i32>} : memref<1536xf32, #tpu.memory_space<vmem>>, vector<16xf32>,
    %add3A_116 = arith.addf %add3A_113, %get3A_115 : vector<16xf32>
    %get3A_117 = arith.constant 1456 : index
    %get3A_118 = tpu.vector_load %arg13[%get3A_117] {strides = array<i32>} : memref<1536xf32, #tpu.memory_space<vmem>>, vector<16xf32>,
    %add3A_119 = arith.addf %add3A_116, %get3A_118 : vector<16xf32>
    %max3A_120 = arith.constant 1.000000e+00 : f32
    %max3A_121 = vector.broadcast %max3A_120 : f32 to vector<16xf32>
    %max3A_122 = arith.maximumf %add3A_119, %max3A_121 : vector<16xf32>
    %div3A_123 = arith.constant 1.000000e+00 : f32
    %div3A_124 = vector.broadcast %div3A_123 : f32 to vector<16xf32>
    %div3A_125 = arith.divf %div3A_124, %max3A_122 : vector<16xf32>
    %swap3A_126 = arith.constant 16 : index
    %swap3A_127 = tpu.vector_load %arg12[%swap3A_126] {strides = array<i32>} : memref<96xf32, #tpu.memory_space<vmem>>, vector<16xf32>,
    tpu.vector_store %arg12[%swap3A_126], %div3A_125 {strides = array<i32>} : memref<96xf32, #tpu.memory_space<vmem>>, vector<16xf32>,
    %get3A_128 = arith.constant 32 : index
    %get3A_129 = tpu.vector_load %arg13[%get3A_128] {strides = array<i32>} : memref<1536xf32, #tpu.memory_space<vmem>>, vector<16xf32>,
    %add3A_130 = arith.addf %broadcast_in_dim3A_4, %get3A_129 : vector<16xf32>
    %get3A_131 = arith.constant 128 : index
    %get3A_132 = tpu.vector_load %arg13[%get3A_131] {strides = array<i32>} : memref<1536xf32, #tpu.memory_space<vmem>>, vector<16xf32>,
    %add3A_133 = arith.addf %add3A_130, %get3A_132 : vector<16xf32>
    %get3A_134 = arith.constant 224 : index
    %get3A_135 = tpu.vector_load %arg13[%get3A_134] {strides = array<i32>} : memref<1536xf32, #tpu.memory_space<vmem>>, vector<16xf32>,
    %add3A_136 = arith.addf %add3A_133, %get3A_135 : vector<16xf32>
    %get3A_137 = arith.constant 320 : index
    %get3A_138 = tpu.vector_load %arg13[%get3A_137] {strides = array<i32>} : memref<1536xf32, #tpu.memory_space<vmem>>, vector<16xf32>,
    %add3A_139 = arith.addf %add3A_136, %get3A_138 : vector<16xf32>
    %get3A_140 = arith.constant 416 : index
    %get3A_141 = tpu.vector_load %arg13[%get3A_140] {strides = array<i32>} : memref<1536xf32, #tpu.memory_space<vmem>>, vector<16xf32>,
    %add3A_142 = arith.addf %add3A_139, %get3A_141 : vector<16xf32>
    %get3A_143 = arith.constant 512 : index
    %get3A_144 = tpu.vector_load %arg13[%get3A_143] {strides = array<i32>} : memref<1536xf32, #tpu.memory_space<vmem>>, vector<16xf32>,
    %add3A_145 = arith.addf %add3A_142, %get3A_144 : vector<16xf32>
    %get3A_146 = arith.constant 608 : index
    %get3A_147 = tpu.vector_load %arg13[%get3A_146] {strides = array<i32>} : memref<1536xf32, #tpu.memory_space<vmem>>, vector<16xf32>,
    %add3A_148 = arith.addf %add3A_145, %get3A_147 : vector<16xf32>
    %get3A_149 = arith.constant 704 : index
    %get3A_150 = tpu.vector_load %arg13[%get3A_149] {strides = array<i32>} : memref<1536xf32, #tpu.memory_space<vmem>>, vector<16xf32>,
    %add3A_151 = arith.addf %add3A_148, %get3A_150 : vector<16xf32>
    %get3A_152 = arith.constant 800 : index
    %get3A_153 = tpu.vector_load %arg13[%get3A_152] {strides = array<i32>} : memref<1536xf32, #tpu.memory_space<vmem>>, vector<16xf32>,
    %add3A_154 = arith.addf %add3A_151, %get3A_153 : vector<16xf32>
    %get3A_155 = arith.constant 896 : index
    %get3A_156 = tpu.vector_load %arg13[%get3A_155] {strides = array<i32>} : memref<1536xf32, #tpu.memory_space<vmem>>, vector<16xf32>,
    %add3A_157 = arith.addf %add3A_154, %get3A_156 : vector<16xf32>
    %get3A_158 = arith.constant 992 : index
    %get3A_159 = tpu.vector_load %arg13[%get3A_158] {strides = array<i32>} : memref<1536xf32, #tpu.memory_space<vmem>>, vector<16xf32>,
    %add3A_160 = arith.addf %add3A_157, %get3A_159 : vector<16xf32>
    %get3A_161 = arith.constant 1088 : index
    %get3A_162 = tpu.vector_load %arg13[%get3A_161] {strides = array<i32>} : memref<1536xf32, #tpu.memory_space<vmem>>, vector<16xf32>,
    %add3A_163 = arith.addf %add3A_160, %get3A_162 : vector<16xf32>
    %get3A_164 = arith.constant 1184 : index
    %get3A_165 = tpu.vector_load %arg13[%get3A_164] {strides = array<i32>} : memref<1536xf32, #tpu.memory_space<vmem>>, vector<16xf32>,
    %add3A_166 = arith.addf %add3A_163, %get3A_165 : vector<16xf32>
    %get3A_167 = arith.constant 1280 : index
    %get3A_168 = tpu.vector_load %arg13[%get3A_167] {strides = array<i32>} : memref<1536xf32, #tpu.memory_space<vmem>>, vector<16xf32>,
    %add3A_169 = arith.addf %add3A_166, %get3A_168 : vector<16xf32>
    %get3A_170 = arith.constant 1376 : index
    %get3A_171 = tpu.vector_load %arg13[%get3A_170] {strides = array<i32>} : memref<1536xf32, #tpu.memory_space<vmem>>, vector<16xf32>,
    %add3A_172 = arith.addf %add3A_169, %get3A_171 : vector<16xf32>
    %get3A_173 = arith.constant 1472 : index
    %get3A_174 = tpu.vector_load %arg13[%get3A_173] {strides = array<i32>} : memref<1536xf32, #tpu.memory_space<vmem>>, vector<16xf32>,
    %add3A_175 = arith.addf %add3A_172, %get3A_174 : vector<16xf32>
    %max3A_176 = arith.constant 1.000000e+00 : f32
    %max3A_177 = vector.broadcast %max3A_176 : f32 to vector<16xf32>
    %max3A_178 = arith.maximumf %add3A_175, %max3A_177 : vector<16xf32>
    %div3A_179 = arith.constant 1.000000e+00 : f32
    %div3A_180 = vector.broadcast %div3A_179 : f32 to vector<16xf32>
    %div3A_181 = arith.divf %div3A_180, %max3A_178 : vector<16xf32>
    %swap3A_182 = arith.constant 32 : index
    %swap3A_183 = tpu.vector_load %arg12[%swap3A_182] {strides = array<i32>} : memref<96xf32, #tpu.memory_space<vmem>>, vector<16xf32>,
    tpu.vector_store %arg12[%swap3A_182], %div3A_181 {strides = array<i32>} : memref<96xf32, #tpu.memory_space<vmem>>, vector<16xf32>,
    %get3A_184 = arith.constant 48 : index
    %get3A_185 = tpu.vector_load %arg13[%get3A_184] {strides = array<i32>} : memref<1536xf32, #tpu.memory_space<vmem>>, vector<16xf32>,
    %add3A_186 = arith.addf %broadcast_in_dim3A_4, %get3A_185 : vector<16xf32>
    %get3A_187 = arith.constant 144 : index
    %get3A_188 = tpu.vector_load %arg13[%get3A_187] {strides = array<i32>} : memref<1536xf32, #tpu.memory_space<vmem>>, vector<16xf32>,
    %add3A_189 = arith.addf %add3A_186, %get3A_188 : vector<16xf32>
    %get3A_190 = arith.constant 240 : index
    %get3A_191 = tpu.vector_load %arg13[%get3A_190] {strides = array<i32>} : memref<1536xf32, #tpu.memory_space<vmem>>, vector<16xf32>,
    %add3A_192 = arith.addf %add3A_189, %get3A_191 : vector<16xf32>
    %get3A_193 = arith.constant 336 : index
    %get3A_194 = tpu.vector_load %arg13[%get3A_193] {strides = array<i32>} : memref<1536xf32, #tpu.memory_space<vmem>>, vector<16xf32>,
    %add3A_195 = arith.addf %add3A_192, %get3A_194 : vector<16xf32>
    %get3A_196 = arith.constant 432 : index
    %get3A_197 = tpu.vector_load %arg13[%get3A_196] {strides = array<i32>} : memref<1536xf32, #tpu.memory_space<vmem>>, vector<16xf32>,
    %add3A_198 = arith.addf %add3A_195, %get3A_197 : vector<16xf32>
    %get3A_199 = arith.constant 528 : index
    %get3A_200 = tpu.vector_load %arg13[%get3A_199] {strides = array<i32>} : memref<1536xf32, #tpu.memory_space<vmem>>, vector<16xf32>,
    %add3A_201 = arith.addf %add3A_198, %get3A_200 : vector<16xf32>
    %get3A_202 = arith.constant 624 : index
    %get3A_203 = tpu.vector_load %arg13[%get3A_202] {strides = array<i32>} : memref<1536xf32, #tpu.memory_space<vmem>>, vector<16xf32>,
    %add3A_204 = arith.addf %add3A_201, %get3A_203 : vector<16xf32>
    %get3A_205 = arith.constant 720 : index
    %get3A_206 = tpu.vector_load %arg13[%get3A_205] {strides = array<i32>} : memref<1536xf32, #tpu.memory_space<vmem>>, vector<16xf32>,
    %add3A_207 = arith.addf %add3A_204, %get3A_206 : vector<16xf32>
    %get3A_208 = arith.constant 816 : index
    %get3A_209 = tpu.vector_load %arg13[%get3A_208] {strides = array<i32>} : memref<1536xf32, #tpu.memory_space<vmem>>, vector<16xf32>,
    %add3A_210 = arith.addf %add3A_207, %get3A_209 : vector<16xf32>
    %get3A_211 = arith.constant 912 : index
    %get3A_212 = tpu.vector_load %arg13[%get3A_211] {strides = array<i32>} : memref<1536xf32, #tpu.memory_space<vmem>>, vector<16xf32>,
    %add3A_213 = arith.addf %add3A_210, %get3A_212 : vector<16xf32>
    %get3A_214 = arith.constant 1008 : index
    %get3A_215 = tpu.vector_load %arg13[%get3A_214] {strides = array<i32>} : memref<1536xf32, #tpu.memory_space<vmem>>, vector<16xf32>,
    %add3A_216 = arith.addf %add3A_213, %get3A_215 : vector<16xf32>
    %get3A_217 = arith.constant 1104 : index
    %get3A_218 = tpu.vector_load %arg13[%get3A_217] {strides = array<i32>} : memref<1536xf32, #tpu.memory_space<vmem>>, vector<16xf32>,
    %add3A_219 = arith.addf %add3A_216, %get3A_218 : vector<16xf32>
    %get3A_220 = arith.constant 1200 : index
    %get3A_221 = tpu.vector_load %arg13[%get3A_220] {strides = array<i32>} : memref<1536xf32, #tpu.memory_space<vmem>>, vector<16xf32>,
    %add3A_222 = arith.addf %add3A_219, %get3A_221 : vector<16xf32>
    %get3A_223 = arith.constant 1296 : index
    %get3A_224 = tpu.vector_load %arg13[%get3A_223] {strides = array<i32>} : memref<1536xf32, #tpu.memory_space<vmem>>, vector<16xf32>,
    %add3A_225 = arith.addf %add3A_222, %get3A_224 : vector<16xf32>
    %get3A_226 = arith.constant 1392 : index
    %get3A_227 = tpu.vector_load %arg13[%get3A_226] {strides = array<i32>} : memref<1536xf32, #tpu.memory_space<vmem>>, vector<16xf32>,
    %add3A_228 = arith.addf %add3A_225, %get3A_227 : vector<16xf32>
    %get3A_229 = arith.constant 1488 : index
    %get3A_230 = tpu.vector_load %arg13[%get3A_229] {strides = array<i32>} : memref<1536xf32, #tpu.memory_space<vmem>>, vector<16xf32>,
    %add3A_231 = arith.addf %add3A_228, %get3A_230 : vector<16xf32>
    %max3A_232 = arith.constant 1.000000e+00 : f32
    %max3A_233 = vector.broadcast %max3A_232 : f32 to vector<16xf32>
    %max3A_234 = arith.maximumf %add3A_231, %max3A_233 : vector<16xf32>
    %div3A_235 = arith.constant 1.000000e+00 : f32
    %div3A_236 = vector.broadcast %div3A_235 : f32 to vector<16xf32>
    %div3A_237 = arith.divf %div3A_236, %max3A_234 : vector<16xf32>
    %swap3A_238 = arith.constant 48 : index
    %swap3A_239 = tpu.vector_load %arg12[%swap3A_238] {strides = array<i32>} : memref<96xf32, #tpu.memory_space<vmem>>, vector<16xf32>,
    tpu.vector_store %arg12[%swap3A_238], %div3A_237 {strides = array<i32>} : memref<96xf32, #tpu.memory_space<vmem>>, vector<16xf32>,
    %get3A_240 = arith.constant 64 : index
    %get3A_241 = tpu.vector_load %arg13[%get3A_240] {strides = array<i32>} : memref<1536xf32, #tpu.memory_space<vmem>>, vector<16xf32>,
    %add3A_242 = arith.addf %broadcast_in_dim3A_4, %get3A_241 : vector<16xf32>
    %get3A_243 = arith.constant 160 : index
    %get3A_244 = tpu.vector_load %arg13[%get3A_243] {strides = array<i32>} : memref<1536xf32, #tpu.memory_space<vmem>>, vector<16xf32>,
    %add3A_245 = arith.addf %add3A_242, %get3A_244 : vector<16xf32>
    %get3A_246 = arith.constant 256 : index
    %get3A_247 = tpu.vector_load %arg13[%get3A_246] {strides = array<i32>} : memref<1536xf32, #tpu.memory_space<vmem>>, vector<16xf32>,
    %add3A_248 = arith.addf %add3A_245, %get3A_247 : vector<16xf32>
    %get3A_249 = arith.constant 352 : index
    %get3A_250 = tpu.vector_load %arg13[%get3A_249] {strides = array<i32>} : memref<1536xf32, #tpu.memory_space<vmem>>, vector<16xf32>,
    %add3A_251 = arith.addf %add3A_248, %get3A_250 : vector<16xf32>
    %get3A_252 = arith.constant 448 : index
    %get3A_253 = tpu.vector_load %arg13[%get3A_252] {strides = array<i32>} : memref<1536xf32, #tpu.memory_space<vmem>>, vector<16xf32>,
    %add3A_254 = arith.addf %add3A_251, %get3A_253 : vector<16xf32>
    %get3A_255 = arith.constant 544 : index
    %get3A_256 = tpu.vector_load %arg13[%get3A_255] {strides = array<i32>} : memref<1536xf32, #tpu.memory_space<vmem>>, vector<16xf32>,
    %add3A_257 = arith.addf %add3A_254, %get3A_256 : vector<16xf32>
    %get3A_258 = arith.constant 640 : index
    %get3A_259 = tpu.vector_load %arg13[%get3A_258] {strides = array<i32>} : memref<1536xf32, #tpu.memory_space<vmem>>, vector<16xf32>,
    %add3A_260 = arith.addf %add3A_257, %get3A_259 : vector<16xf32>
    %get3A_261 = arith.constant 736 : index
    %get3A_262 = tpu.vector_load %arg13[%get3A_261] {strides = array<i32>} : memref<1536xf32, #tpu.memory_space<vmem>>, vector<16xf32>,
    %add3A_263 = arith.addf %add3A_260, %get3A_262 : vector<16xf32>
    %get3A_264 = arith.constant 832 : index
    %get3A_265 = tpu.vector_load %arg13[%get3A_264] {strides = array<i32>} : memref<1536xf32, #tpu.memory_space<vmem>>, vector<16xf32>,
    %add3A_266 = arith.addf %add3A_263, %get3A_265 : vector<16xf32>
    %get3A_267 = arith.constant 928 : index
    %get3A_268 = tpu.vector_load %arg13[%get3A_267] {strides = array<i32>} : memref<1536xf32, #tpu.memory_space<vmem>>, vector<16xf32>,
    %add3A_269 = arith.addf %add3A_266, %get3A_268 : vector<16xf32>
    %get3A_270 = arith.constant 1024 : index
    %get3A_271 = tpu.vector_load %arg13[%get3A_270] {strides = array<i32>} : memref<1536xf32, #tpu.memory_space<vmem>>, vector<16xf32>,
    %add3A_272 = arith.addf %add3A_269, %get3A_271 : vector<16xf32>
    %get3A_273 = arith.constant 1120 : index
    %get3A_274 = tpu.vector_load %arg13[%get3A_273] {strides = array<i32>} : memref<1536xf32, #tpu.memory_space<vmem>>, vector<16xf32>,
    %add3A_275 = arith.addf %add3A_272, %get3A_274 : vector<16xf32>
    %get3A_276 = arith.constant 1216 : index
    %get3A_277 = tpu.vector_load %arg13[%get3A_276] {strides = array<i32>} : memref<1536xf32, #tpu.memory_space<vmem>>, vector<16xf32>,
    %add3A_278 = arith.addf %add3A_275, %get3A_277 : vector<16xf32>
    %get3A_279 = arith.constant 1312 : index
    %get3A_280 = tpu.vector_load %arg13[%get3A_279] {strides = array<i32>} : memref<1536xf32, #tpu.memory_space<vmem>>, vector<16xf32>,
    %add3A_281 = arith.addf %add3A_278, %get3A_280 : vector<16xf32>
    %get3A_282 = arith.constant 1408 : index
    %get3A_283 = tpu.vector_load %arg13[%get3A_282] {strides = array<i32>} : memref<1536xf32, #tpu.memory_space<vmem>>, vector<16xf32>,
    %add3A_284 = arith.addf %add3A_281, %get3A_283 : vector<16xf32>
    %get3A_285 = arith.constant 1504 : index
    %get3A_286 = tpu.vector_load %arg13[%get3A_285] {strides = array<i32>} : memref<1536xf32, #tpu.memory_space<vmem>>, vector<16xf32>,
    %add3A_287 = arith.addf %add3A_284, %get3A_286 : vector<16xf32>
    %max3A_288 = arith.constant 1.000000e+00 : f32
    %max3A_289 = vector.broadcast %max3A_288 : f32 to vector<16xf32>
    %max3A_290 = arith.maximumf %add3A_287, %max3A_289 : vector<16xf32>
    %div3A_291 = arith.constant 1.000000e+00 : f32
    %div3A_292 = vector.broadcast %div3A_291 : f32 to vector<16xf32>
    %div3A_293 = arith.divf %div3A_292, %max3A_290 : vector<16xf32>
    %swap3A_294 = arith.constant 64 : index
    %swap3A_295 = tpu.vector_load %arg12[%swap3A_294] {strides = array<i32>} : memref<96xf32, #tpu.memory_space<vmem>>, vector<16xf32>,
    tpu.vector_store %arg12[%swap3A_294], %div3A_293 {strides = array<i32>} : memref<96xf32, #tpu.memory_space<vmem>>, vector<16xf32>,
    %get3A_296 = arith.constant 80 : index
    %get3A_297 = tpu.vector_load %arg13[%get3A_296] {strides = array<i32>} : memref<1536xf32, #tpu.memory_space<vmem>>, vector<16xf32>,
    %add3A_298 = arith.addf %broadcast_in_dim3A_4, %get3A_297 : vector<16xf32>
    %get3A_299 = arith.constant 176 : index
    %get3A_300 = tpu.vector_load %arg13[%get3A_299] {strides = array<i32>} : memref<1536xf32, #tpu.memory_space<vmem>>, vector<16xf32>,
    %add3A_301 = arith.addf %add3A_298, %get3A_300 : vector<16xf32>
    %get3A_302 = arith.constant 272 : index
    %get3A_303 = tpu.vector_load %arg13[%get3A_302] {strides = array<i32>} : memref<1536xf32, #tpu.memory_space<vmem>>, vector<16xf32>,
    %add3A_304 = arith.addf %add3A_301, %get3A_303 : vector<16xf32>
    %get3A_305 = arith.constant 368 : index
    %get3A_306 = tpu.vector_load %arg13[%get3A_305] {strides = array<i32>} : memref<1536xf32, #tpu.memory_space<vmem>>, vector<16xf32>,
    %add3A_307 = arith.addf %add3A_304, %get3A_306 : vector<16xf32>
    %get3A_308 = arith.constant 464 : index
    %get3A_309 = tpu.vector_load %arg13[%get3A_308] {strides = array<i32>} : memref<1536xf32, #tpu.memory_space<vmem>>, vector<16xf32>,
    %add3A_310 = arith.addf %add3A_307, %get3A_309 : vector<16xf32>
    %get3A_311 = arith.constant 560 : index
    %get3A_312 = tpu.vector_load %arg13[%get3A_311] {strides = array<i32>} : memref<1536xf32, #tpu.memory_space<vmem>>, vector<16xf32>,
    %add3A_313 = arith.addf %add3A_310, %get3A_312 : vector<16xf32>
    %get3A_314 = arith.constant 656 : index
    %get3A_315 = tpu.vector_load %arg13[%get3A_314] {strides = array<i32>} : memref<1536xf32, #tpu.memory_space<vmem>>, vector<16xf32>,
    %add3A_316 = arith.addf %add3A_313, %get3A_315 : vector<16xf32>
    %get3A_317 = arith.constant 752 : index
    %get3A_318 = tpu.vector_load %arg13[%get3A_317] {strides = array<i32>} : memref<1536xf32, #tpu.memory_space<vmem>>, vector<16xf32>,
    %add3A_319 = arith.addf %add3A_316, %get3A_318 : vector<16xf32>
    %get3A_320 = arith.constant 848 : index
    %get3A_321 = tpu.vector_load %arg13[%get3A_320] {strides = array<i32>} : memref<1536xf32, #tpu.memory_space<vmem>>, vector<16xf32>,
    %add3A_322 = arith.addf %add3A_319, %get3A_321 : vector<16xf32>
    %get3A_323 = arith.constant 944 : index
    %get3A_324 = tpu.vector_load %arg13[%get3A_323] {strides = array<i32>} : memref<1536xf32, #tpu.memory_space<vmem>>, vector<16xf32>,
    %add3A_325 = arith.addf %add3A_322, %get3A_324 : vector<16xf32>
    %get3A_326 = arith.constant 1040 : index
    %get3A_327 = tpu.vector_load %arg13[%get3A_326] {strides = array<i32>} : memref<1536xf32, #tpu.memory_space<vmem>>, vector<16xf32>,
    %add3A_328 = arith.addf %add3A_325, %get3A_327 : vector<16xf32>
    %get3A_329 = arith.constant 1136 : index
    %get3A_330 = tpu.vector_load %arg13[%get3A_329] {strides = array<i32>} : memref<1536xf32, #tpu.memory_space<vmem>>, vector<16xf32>,
    %add3A_331 = arith.addf %add3A_328, %get3A_330 : vector<16xf32>
    %get3A_332 = arith.constant 1232 : index
    %get3A_333 = tpu.vector_load %arg13[%get3A_332] {strides = array<i32>} : memref<1536xf32, #tpu.memory_space<vmem>>, vector<16xf32>,
    %add3A_334 = arith.addf %add3A_331, %get3A_333 : vector<16xf32>
    %get3A_335 = arith.constant 1328 : index
    %get3A_336 = tpu.vector_load %arg13[%get3A_335] {strides = array<i32>} : memref<1536xf32, #tpu.memory_space<vmem>>, vector<16xf32>,
    %add3A_337 = arith.addf %add3A_334, %get3A_336 : vector<16xf32>
    %get3A_338 = arith.constant 1424 : index
    %get3A_339 = tpu.vector_load %arg13[%get3A_338] {strides = array<i32>} : memref<1536xf32, #tpu.memory_space<vmem>>, vector<16xf32>,
    %add3A_340 = arith.addf %add3A_337, %get3A_339 : vector<16xf32>
    %get3A_341 = arith.constant 1520 : index
    %get3A_342 = tpu.vector_load %arg13[%get3A_341] {strides = array<i32>} : memref<1536xf32, #tpu.memory_space<vmem>>, vector<16xf32>,
    %add3A_343 = arith.addf %add3A_340, %get3A_342 : vector<16xf32>
    %max3A_344 = arith.constant 1.000000e+00 : f32
    %max3A_345 = vector.broadcast %max3A_344 : f32 to vector<16xf32>
    %max3A_346 = arith.maximumf %add3A_343, %max3A_345 : vector<16xf32>
    %div3A_347 = arith.constant 1.000000e+00 : f32
    %div3A_348 = vector.broadcast %div3A_347 : f32 to vector<16xf32>
    %div3A_349 = arith.divf %div3A_348, %max3A_346 : vector<16xf32>
    %swap3A_350 = arith.constant 80 : index
    %swap3A_351 = tpu.vector_load %arg12[%swap3A_350] {strides = array<i32>} : memref<96xf32, #tpu.memory_space<vmem>>, vector<16xf32>,
    tpu.vector_store %arg12[%swap3A_350], %div3A_349 {strides = array<i32>} : memref<96xf32, #tpu.memory_space<vmem>>, vector<16xf32>,
    %scan3A_352 = arith.constant 0 : i32
    %scan3A_353 = arith.constant 0 : i32
    %scan3A_354 = arith.constant 32 : i32
    %scan3A_355 = arith.addi %scan3A_353, %scan3A_354 : i32
    %scan3A_356 = arith.constant 1 : i32
    %scan3A_357 = scf.for %scan3A_359 = %scan3A_353 to %scan3A_355 step %scan3A_356 iter_args(%scan3A_360 = %scan3A_352) -> (i32)  : i32 {
      %mul3A_361 = arith.constant 32 : i32
      %mul3A_362 = arith.muli %add3A, %mul3A_361 : i32
      %add3A_363 = arith.addi %mul3A_362, %scan3A_359 : i32
      "tpu.region"() ({
        %run_scoped3A = tpu.sem_alloc : memref<!tpu.dma_semaphore, #tpu.memory_space<semaphore_mem>>
        %dma_start3A = arith.constant 0 : i32
        %dma_start3A_704 = tpu.memref_slice %arg2[%add3A_363, %dma_start3A] : memref<1024x31425xf32, #tpu.memory_space<hbm>> -> memref<1x31425xf32, #tpu.memory_space<hbm>>
        %dma_start3A_705 = tpu.memref_squeeze %dma_start3A_704 : memref<1x31425xf32, #tpu.memory_space<hbm>> -> memref<31425xf32, #tpu.memory_space<hbm>>
        %dma_start3A_706 = arith.constant 0 : i32
        %dma_start3A_707 = tpu.memref_slice %arg2[%add3A_363, %dma_start3A_706] : memref<1024x31425xf32, #tpu.memory_space<hbm>> -> memref<1x31425xf32, #tpu.memory_space<hbm>>
        %dma_start3A_708 = tpu.memref_squeeze %dma_start3A_707 : memref<1x31425xf32, #tpu.memory_space<hbm>> -> memref<31425xf32, #tpu.memory_space<hbm>>
        tpu.enqueue_dma source(%dma_start3A_708 : memref<31425xf32, #tpu.memory_space<hbm>>) target(%arg7 : memref<31425xf32, #tpu.memory_space<vmem>>) target_semaphore(%run_scoped3A : memref<!tpu.dma_semaphore, #tpu.memory_space<semaphore_mem>>)
        %dma_wait3A = arith.constant 0 : i32
        %dma_wait3A_709 = tpu.memref_slice %arg2[%add3A_363, %dma_wait3A] : memref<1024x31425xf32, #tpu.memory_space<hbm>> -> memref<1x31425xf32, #tpu.memory_space<hbm>>
        %dma_wait3A_710 = tpu.memref_squeeze %dma_wait3A_709 : memref<1x31425xf32, #tpu.memory_space<hbm>> -> memref<31425xf32, #tpu.memory_space<hbm>>
        %dma_wait3A_711 = arith.constant 0 : i32
        %dma_wait3A_712 = tpu.memref_slice %arg2[%add3A_363, %dma_wait3A_711] : memref<1024x31425xf32, #tpu.memory_space<hbm>> -> memref<1x31425xf32, #tpu.memory_space<hbm>>
        %dma_wait3A_713 = tpu.memref_squeeze %dma_wait3A_712 : memref<1x31425xf32, #tpu.memory_space<hbm>> -> memref<31425xf32, #tpu.memory_space<hbm>>
        tpu.wait_dma2 semaphore(%run_scoped3A : memref<!tpu.dma_semaphore, #tpu.memory_space<semaphore_mem>>) src(%dma_wait3A_713 : memref<31425xf32, #tpu.memory_space<hbm>>) dst(%arg7 : memref<31425xf32, #tpu.memory_space<vmem>>)
        tpu.yield
      }) : () -> ()
      %scan3A_364 = arith.constant 0 : i32
      %scan3A_365 = arith.constant 0 : i32
      %scan3A_366 = arith.constant 96 : i32
      %scan3A_367 = arith.addi %scan3A_365, %scan3A_366 : i32
      %scan3A_368 = arith.constant 1 : i32
      %scan3A_369 = scf.for %scan3A_704 = %scan3A_365 to %scan3A_367 step %scan3A_368 iter_args(%scan3A_705 = %scan3A_364) -> (i32)  : i32 {
        %mul3A_706 = arith.constant 16 : i32
        %mul3A_707 = arith.muli %scan3A_704, %mul3A_706 : i32
        %multiple_of3A = tpu.assume_multiple %mul3A_707, 16 : i32
        %swap3A_708 = arith.index_cast %multiple_of3A : i32 to index
        %swap3A_709 = tpu.vector_load %arg13[%swap3A_708] {strides = array<i32>} : memref<1536xf32, #tpu.memory_space<vmem>>, vector<16xf32>,
        tpu.vector_store %arg13[%swap3A_708], %broadcast_in_dim3A_4 {strides = array<i32>} : memref<1536xf32, #tpu.memory_space<vmem>>, vector<16xf32>,
        %scan3A_710 = arith.constant 0 : i32
        scf.yield %scan3A_710 : i32
      }
      %scan3A_370 = arith.constant 96 : i32
      %scan3A_371 = arith.constant 0 : i32
      %scan3A_372 = arith.constant 0 : i32
      %scan3A_373 = arith.constant 512 : i32
      %scan3A_374 = arith.addi %scan3A_372, %scan3A_373 : i32
      %scan3A_375 = arith.constant 1 : i32
      %scan3A_376 = scf.for %scan3A_704 = %scan3A_372 to %scan3A_374 step %scan3A_375 iter_args(%scan3A_705 = %scan3A_371) -> (i32)  : i32 {
        %mul3A_706 = arith.constant 16 : i32
        %mul3A_707 = arith.muli %scan3A_704, %mul3A_706 : i32
        %multiple_of3A = tpu.assume_multiple %mul3A_707, 16 : i32
        %get3A_708 = arith.index_cast %multiple_of3A : i32 to index
        %get3A_709 = tpu.vector_load %arg9[%get3A_708] {strides = array<i32>} : memref<8192xi32, #tpu.memory_space<vmem>>, vector<16xi32>,
        %mul3A_710 = arith.constant 3 : i32
        %mul3A_711 = vector.broadcast %mul3A_710 : i32 to vector<16xi32>
        %mul3A_712 = arith.muli %get3A_709, %mul3A_711 : vector<16xi32>
        %mul3A_713 = arith.constant 48 : i32
        %mul3A_714 = arith.muli %scan3A_704, %mul3A_713 : i32
        %mul3A_715 = arith.constant 3 : i32
        %mul3A_716 = vector.broadcast %mul3A_715 : i32 to vector<16xi32>
        %mul3A_717 = arith.muli %iota3A, %mul3A_716 : vector<16xi32>
        %add3A_718 = vector.broadcast %mul3A_714 : i32 to vector<16xi32>
        %add3A_719 = arith.addi %add3A_718, %mul3A_717 : vector<16xi32>
        %add3A_720 = arith.constant 0 : i32
        %add3A_721 = vector.broadcast %add3A_720 : i32 to vector<16xi32>
        %add3A_722 = arith.addi %mul3A_712, %add3A_721 : vector<16xi32>
        %gather3A = tpu.vector_load_idx %arg7[%add3A_722] : memref<31425xf32, #tpu.memory_space<vmem>>[vector<16xi32>], vector<16xf32>,
        %add3A_723 = arith.constant 0 : i32
        %add3A_724 = vector.broadcast %add3A_723 : i32 to vector<16xi32>
        %add3A_725 = arith.addi %add3A_719, %add3A_724 : vector<16xi32>
        tpu.vector_store_idx %arg8[%add3A_725], %gather3A : memref<24672xf32, #tpu.memory_space<vmem>>[vector<16xi32>], vector<16xf32>,
        %add3A_726 = arith.constant 1 : i32
        %add3A_727 = vector.broadcast %add3A_726 : i32 to vector<16xi32>
        %add3A_728 = arith.addi %mul3A_712, %add3A_727 : vector<16xi32>
        %gather3A_729 = tpu.vector_load_idx %arg7[%add3A_728] : memref<31425xf32, #tpu.memory_space<vmem>>[vector<16xi32>], vector<16xf32>,
        %add3A_730 = arith.constant 1 : i32
        %add3A_731 = vector.broadcast %add3A_730 : i32 to vector<16xi32>
        %add3A_732 = arith.addi %add3A_719, %add3A_731 : vector<16xi32>
        tpu.vector_store_idx %arg8[%add3A_732], %gather3A_729 : memref<24672xf32, #tpu.memory_space<vmem>>[vector<16xi32>], vector<16xf32>,
        %add3A_733 = arith.constant 2 : i32
        %add3A_734 = vector.broadcast %add3A_733 : i32 to vector<16xi32>
        %add3A_735 = arith.addi %mul3A_712, %add3A_734 : vector<16xi32>
        %gather3A_736 = tpu.vector_load_idx %arg7[%add3A_735] : memref<31425xf32, #tpu.memory_space<vmem>>[vector<16xi32>], vector<16xf32>,
        %add3A_737 = arith.constant 2 : i32
        %add3A_738 = vector.broadcast %add3A_737 : i32 to vector<16xi32>
        %add3A_739 = arith.addi %add3A_719, %add3A_738 : vector<16xi32>
        tpu.vector_store_idx %arg8[%add3A_739], %gather3A_736 : memref<24672xf32, #tpu.memory_space<vmem>>[vector<16xi32>], vector<16xf32>,
        %scan3A_740 = arith.constant 0 : i32
        scf.yield %scan3A_740 : i32
      }
      %scan3A_377 = arith.constant 512 : i32
      %scan3A_378 = arith.constant 0 : i32
      %scan3A_379 = arith.constant 0 : i32
      %scan3A_380 = arith.constant 256 : i32
      %scan3A_381 = arith.addi %scan3A_379, %scan3A_380 : i32
      %scan3A_382 = arith.constant 1 : i32
      %scan3A_383 = scf.for %scan3A_704 = %scan3A_379 to %scan3A_381 step %scan3A_382 iter_args(%scan3A_705 = %scan3A_378) -> (i32)  : i32 {
        %mul3A_706 = arith.constant 16 : i32
        %mul3A_707 = arith.muli %scan3A_704, %mul3A_706 : i32
        %multiple_of3A = tpu.assume_multiple %mul3A_707, 16 : i32
        %get3A_708 = arith.index_cast %multiple_of3A : i32 to index
        %get3A_709 = tpu.vector_load %arg10[%get3A_708] {strides = array<i32>} : memref<4096xi32, #tpu.memory_space<vmem>>, vector<16xi32>,
        %mul3A_710 = arith.constant 16 : i32
        %mul3A_711 = arith.muli %scan3A_704, %mul3A_710 : i32
        %multiple_of3A_712 = tpu.assume_multiple %mul3A_711, 16 : i32
        %get3A_713 = arith.index_cast %multiple_of3A_712 : i32 to index
        %get3A_714 = tpu.vector_load %arg11[%get3A_713] {strides = array<i32>} : memref<4096xi32, #tpu.memory_space<vmem>>, vector<16xi32>,
        %mul3A_715 = arith.constant 3 : i32
        %mul3A_716 = vector.broadcast %mul3A_715 : i32 to vector<16xi32>
        %mul3A_717 = arith.muli %get3A_709, %mul3A_716 : vector<16xi32>
        %mul3A_718 = arith.constant 3 : i32
        %mul3A_719 = vector.broadcast %mul3A_718 : i32 to vector<16xi32>
        %mul3A_720 = arith.muli %get3A_714, %mul3A_719 : vector<16xi32>
        %add3A_721 = arith.addi %mul3A_3, %mul3A_720 : vector<16xi32>
        %add3A_722 = arith.constant 0 : i32
        %add3A_723 = vector.broadcast %add3A_722 : i32 to vector<16xi32>
        %add3A_724 = arith.addi %mul3A_717, %add3A_723 : vector<16xi32>
        %gather3A = tpu.vector_load_idx %arg7[%add3A_724] : memref<31425xf32, #tpu.memory_space<vmem>>[vector<16xi32>], vector<16xf32>,
        %add3A_725 = arith.constant 0 : i32
        %add3A_726 = vector.broadcast %add3A_725 : i32 to vector<16xi32>
        %add3A_727 = arith.addi %add3A_721, %add3A_726 : vector<16xi32>
        tpu.vector_store_idx %arg13[%add3A_727], %gather3A {add = true} : memref<1536xf32, #tpu.memory_space<vmem>>[vector<16xi32>], vector<16xf32>,
        %add3A_728 = arith.constant 1 : i32
        %add3A_729 = vector.broadcast %add3A_728 : i32 to vector<16xi32>
        %add3A_730 = arith.addi %mul3A_717, %add3A_729 : vector<16xi32>
        %gather3A_731 = tpu.vector_load_idx %arg7[%add3A_730] : memref<31425xf32, #tpu.memory_space<vmem>>[vector<16xi32>], vector<16xf32>,
        %add3A_732 = arith.constant 1 : i32
        %add3A_733 = vector.broadcast %add3A_732 : i32 to vector<16xi32>
        %add3A_734 = arith.addi %add3A_721, %add3A_733 : vector<16xi32>
        tpu.vector_store_idx %arg13[%add3A_734], %gather3A_731 {add = true} : memref<1536xf32, #tpu.memory_space<vmem>>[vector<16xi32>], vector<16xf32>,
        %add3A_735 = arith.constant 2 : i32
        %add3A_736 = vector.broadcast %add3A_735 : i32 to vector<16xi32>
        %add3A_737 = arith.addi %mul3A_717, %add3A_736 : vector<16xi32>
        %gather3A_738 = tpu.vector_load_idx %arg7[%add3A_737] : memref<31425xf32, #tpu.memory_space<vmem>>[vector<16xi32>], vector<16xf32>,
        %add3A_739 = arith.constant 2 : i32
        %add3A_740 = vector.broadcast %add3A_739 : i32 to vector<16xi32>
        %add3A_741 = arith.addi %add3A_721, %add3A_740 : vector<16xi32>
        tpu.vector_store_idx %arg13[%add3A_741], %gather3A_738 {add = true} : memref<1536xf32, #tpu.memory_space<vmem>>[vector<16xi32>], vector<16xf32>,
        %scan3A_742 = arith.constant 0 : i32
        scf.yield %scan3A_742 : i32
      }
      %scan3A_384 = arith.constant 256 : i32
      %get3A_385 = arith.constant 0 : index
      %get3A_386 = tpu.vector_load %arg13[%get3A_385] {strides = array<i32>} : memref<1536xf32, #tpu.memory_space<vmem>>, vector<16xf32>,
      %add3A_387 = arith.addf %broadcast_in_dim3A_4, %get3A_386 : vector<16xf32>
      %get3A_388 = arith.constant 96 : index
      %get3A_389 = tpu.vector_load %arg13[%get3A_388] {strides = array<i32>} : memref<1536xf32, #tpu.memory_space<vmem>>, vector<16xf32>,
      %add3A_390 = arith.addf %add3A_387, %get3A_389 : vector<16xf32>
      %get3A_391 = arith.constant 192 : index
      %get3A_392 = tpu.vector_load %arg13[%get3A_391] {strides = array<i32>} : memref<1536xf32, #tpu.memory_space<vmem>>, vector<16xf32>,
      %add3A_393 = arith.addf %add3A_390, %get3A_392 : vector<16xf32>
      %get3A_394 = arith.constant 288 : index
      %get3A_395 = tpu.vector_load %arg13[%get3A_394] {strides = array<i32>} : memref<1536xf32, #tpu.memory_space<vmem>>, vector<16xf32>,
      %add3A_396 = arith.addf %add3A_393, %get3A_395 : vector<16xf32>
      %get3A_397 = arith.constant 384 : index
      %get3A_398 = tpu.vector_load %arg13[%get3A_397] {strides = array<i32>} : memref<1536xf32, #tpu.memory_space<vmem>>, vector<16xf32>,
      %add3A_399 = arith.addf %add3A_396, %get3A_398 : vector<16xf32>
      %get3A_400 = arith.constant 480 : index
      %get3A_401 = tpu.vector_load %arg13[%get3A_400] {strides = array<i32>} : memref<1536xf32, #tpu.memory_space<vmem>>, vector<16xf32>,
      %add3A_402 = arith.addf %add3A_399, %get3A_401 : vector<16xf32>
      %get3A_403 = arith.constant 576 : index
      %get3A_404 = tpu.vector_load %arg13[%get3A_403] {strides = array<i32>} : memref<1536xf32, #tpu.memory_space<vmem>>, vector<16xf32>,
      %add3A_405 = arith.addf %add3A_402, %get3A_404 : vector<16xf32>
      %get3A_406 = arith.constant 672 : index
      %get3A_407 = tpu.vector_load %arg13[%get3A_406] {strides = array<i32>} : memref<1536xf32, #tpu.memory_space<vmem>>, vector<16xf32>,
      %add3A_408 = arith.addf %add3A_405, %get3A_407 : vector<16xf32>
      %get3A_409 = arith.constant 768 : index
      %get3A_410 = tpu.vector_load %arg13[%get3A_409] {strides = array<i32>} : memref<1536xf32, #tpu.memory_space<vmem>>, vector<16xf32>,
      %add3A_411 = arith.addf %add3A_408, %get3A_410 : vector<16xf32>
      %get3A_412 = arith.constant 864 : index
      %get3A_413 = tpu.vector_load %arg13[%get3A_412] {strides = array<i32>} : memref<1536xf32, #tpu.memory_space<vmem>>, vector<16xf32>,
      %add3A_414 = arith.addf %add3A_411, %get3A_413 : vector<16xf32>
      %get3A_415 = arith.constant 960 : index
      %get3A_416 = tpu.vector_load %arg13[%get3A_415] {strides = array<i32>} : memref<1536xf32, #tpu.memory_space<vmem>>, vector<16xf32>,
      %add3A_417 = arith.addf %add3A_414, %get3A_416 : vector<16xf32>
      %get3A_418 = arith.constant 1056 : index
      %get3A_419 = tpu.vector_load %arg13[%get3A_418] {strides = array<i32>} : memref<1536xf32, #tpu.memory_space<vmem>>, vector<16xf32>,
      %add3A_420 = arith.addf %add3A_417, %get3A_419 : vector<16xf32>
      %get3A_421 = arith.constant 1152 : index
      %get3A_422 = tpu.vector_load %arg13[%get3A_421] {strides = array<i32>} : memref<1536xf32, #tpu.memory_space<vmem>>, vector<16xf32>,
      %add3A_423 = arith.addf %add3A_420, %get3A_422 : vector<16xf32>
      %get3A_424 = arith.constant 1248 : index
      %get3A_425 = tpu.vector_load %arg13[%get3A_424] {strides = array<i32>} : memref<1536xf32, #tpu.memory_space<vmem>>, vector<16xf32>,
      %add3A_426 = arith.addf %add3A_423, %get3A_425 : vector<16xf32>
      %get3A_427 = arith.constant 1344 : index
      %get3A_428 = tpu.vector_load %arg13[%get3A_427] {strides = array<i32>} : memref<1536xf32, #tpu.memory_space<vmem>>, vector<16xf32>,
      %add3A_429 = arith.addf %add3A_426, %get3A_428 : vector<16xf32>
      %get3A_430 = arith.constant 1440 : index
      %get3A_431 = tpu.vector_load %arg13[%get3A_430] {strides = array<i32>} : memref<1536xf32, #tpu.memory_space<vmem>>, vector<16xf32>,
      %add3A_432 = arith.addf %add3A_429, %get3A_431 : vector<16xf32>
      %get3A_433 = arith.constant 0 : index
      %get3A_434 = tpu.vector_load %arg12[%get3A_433] {strides = array<i32>} : memref<96xf32, #tpu.memory_space<vmem>>, vector<16xf32>,
      %mul3A_435 = arith.mulf %add3A_432, %get3A_434 : vector<16xf32>
      %swap3A_436 = arith.constant 24576 : index
      %swap3A_437 = tpu.vector_load %arg8[%swap3A_436] {strides = array<i32>} : memref<24672xf32, #tpu.memory_space<vmem>>, vector<16xf32>,
      tpu.vector_store %arg8[%swap3A_436], %mul3A_435 {strides = array<i32>} : memref<24672xf32, #tpu.memory_space<vmem>>, vector<16xf32>,
      %get3A_438 = arith.constant 16 : index
      %get3A_439 = tpu.vector_load %arg13[%get3A_438] {strides = array<i32>} : memref<1536xf32, #tpu.memory_space<vmem>>, vector<16xf32>,
      %add3A_440 = arith.addf %broadcast_in_dim3A_4, %get3A_439 : vector<16xf32>
      %get3A_441 = arith.constant 112 : index
      %get3A_442 = tpu.vector_load %arg13[%get3A_441] {strides = array<i32>} : memref<1536xf32, #tpu.memory_space<vmem>>, vector<16xf32>,
      %add3A_443 = arith.addf %add3A_440, %get3A_442 : vector<16xf32>
      %get3A_444 = arith.constant 208 : index
      %get3A_445 = tpu.vector_load %arg13[%get3A_444] {strides = array<i32>} : memref<1536xf32, #tpu.memory_space<vmem>>, vector<16xf32>,
      %add3A_446 = arith.addf %add3A_443, %get3A_445 : vector<16xf32>
      %get3A_447 = arith.constant 304 : index
      %get3A_448 = tpu.vector_load %arg13[%get3A_447] {strides = array<i32>} : memref<1536xf32, #tpu.memory_space<vmem>>, vector<16xf32>,
      %add3A_449 = arith.addf %add3A_446, %get3A_448 : vector<16xf32>
      %get3A_450 = arith.constant 400 : index
      %get3A_451 = tpu.vector_load %arg13[%get3A_450] {strides = array<i32>} : memref<1536xf32, #tpu.memory_space<vmem>>, vector<16xf32>,
      %add3A_452 = arith.addf %add3A_449, %get3A_451 : vector<16xf32>
      %get3A_453 = arith.constant 496 : index
      %get3A_454 = tpu.vector_load %arg13[%get3A_453] {strides = array<i32>} : memref<1536xf32, #tpu.memory_space<vmem>>, vector<16xf32>,
      %add3A_455 = arith.addf %add3A_452, %get3A_454 : vector<16xf32>
      %get3A_456 = arith.constant 592 : index
      %get3A_457 = tpu.vector_load %arg13[%get3A_456] {strides = array<i32>} : memref<1536xf32, #tpu.memory_space<vmem>>, vector<16xf32>,
      %add3A_458 = arith.addf %add3A_455, %get3A_457 : vector<16xf32>
      %get3A_459 = arith.constant 688 : index
      %get3A_460 = tpu.vector_load %arg13[%get3A_459] {strides = array<i32>} : memref<1536xf32, #tpu.memory_space<vmem>>, vector<16xf32>,
      %add3A_461 = arith.addf %add3A_458, %get3A_460 : vector<16xf32>
      %get3A_462 = arith.constant 784 : index
      %get3A_463 = tpu.vector_load %arg13[%get3A_462] {strides = array<i32>} : memref<1536xf32, #tpu.memory_space<vmem>>, vector<16xf32>,
      %add3A_464 = arith.addf %add3A_461, %get3A_463 : vector<16xf32>
      %get3A_465 = arith.constant 880 : index
      %get3A_466 = tpu.vector_load %arg13[%get3A_465] {strides = array<i32>} : memref<1536xf32, #tpu.memory_space<vmem>>, vector<16xf32>,
      %add3A_467 = arith.addf %add3A_464, %get3A_466 : vector<16xf32>
      %get3A_468 = arith.constant 976 : index
      %get3A_469 = tpu.vector_load %arg13[%get3A_468] {strides = array<i32>} : memref<1536xf32, #tpu.memory_space<vmem>>, vector<16xf32>,
      %add3A_470 = arith.addf %add3A_467, %get3A_469 : vector<16xf32>
      %get3A_471 = arith.constant 1072 : index
      %get3A_472 = tpu.vector_load %arg13[%get3A_471] {strides = array<i32>} : memref<1536xf32, #tpu.memory_space<vmem>>, vector<16xf32>,
      %add3A_473 = arith.addf %add3A_470, %get3A_472 : vector<16xf32>
      %get3A_474 = arith.constant 1168 : index
      %get3A_475 = tpu.vector_load %arg13[%get3A_474] {strides = array<i32>} : memref<1536xf32, #tpu.memory_space<vmem>>, vector<16xf32>,
      %add3A_476 = arith.addf %add3A_473, %get3A_475 : vector<16xf32>
      %get3A_477 = arith.constant 1264 : index
      %get3A_478 = tpu.vector_load %arg13[%get3A_477] {strides = array<i32>} : memref<1536xf32, #tpu.memory_space<vmem>>, vector<16xf32>,
      %add3A_479 = arith.addf %add3A_476, %get3A_478 : vector<16xf32>
      %get3A_480 = arith.constant 1360 : index
      %get3A_481 = tpu.vector_load %arg13[%get3A_480] {strides = array<i32>} : memref<1536xf32, #tpu.memory_space<vmem>>, vector<16xf32>,
      %add3A_482 = arith.addf %add3A_479, %get3A_481 : vector<16xf32>
      %get3A_483 = arith.constant 1456 : index
      %get3A_484 = tpu.vector_load %arg13[%get3A_483] {strides = array<i32>} : memref<1536xf32, #tpu.memory_space<vmem>>, vector<16xf32>,
      %add3A_485 = arith.addf %add3A_482, %get3A_484 : vector<16xf32>
      %get3A_486 = arith.constant 16 : index
      %get3A_487 = tpu.vector_load %arg12[%get3A_486] {strides = array<i32>} : memref<96xf32, #tpu.memory_space<vmem>>, vector<16xf32>,
      %mul3A_488 = arith.mulf %add3A_485, %get3A_487 : vector<16xf32>
      %swap3A_489 = arith.constant 24592 : index
      %swap3A_490 = tpu.vector_load %arg8[%swap3A_489] {strides = array<i32>} : memref<24672xf32, #tpu.memory_space<vmem>>, vector<16xf32>,
      tpu.vector_store %arg8[%swap3A_489], %mul3A_488 {strides = array<i32>} : memref<24672xf32, #tpu.memory_space<vmem>>, vector<16xf32>,
      %get3A_491 = arith.constant 32 : index
      %get3A_492 = tpu.vector_load %arg13[%get3A_491] {strides = array<i32>} : memref<1536xf32, #tpu.memory_space<vmem>>, vector<16xf32>,
      %add3A_493 = arith.addf %broadcast_in_dim3A_4, %get3A_492 : vector<16xf32>
      %get3A_494 = arith.constant 128 : index
      %get3A_495 = tpu.vector_load %arg13[%get3A_494] {strides = array<i32>} : memref<1536xf32, #tpu.memory_space<vmem>>, vector<16xf32>,
      %add3A_496 = arith.addf %add3A_493, %get3A_495 : vector<16xf32>
      %get3A_497 = arith.constant 224 : index
      %get3A_498 = tpu.vector_load %arg13[%get3A_497] {strides = array<i32>} : memref<1536xf32, #tpu.memory_space<vmem>>, vector<16xf32>,
      %add3A_499 = arith.addf %add3A_496, %get3A_498 : vector<16xf32>
      %get3A_500 = arith.constant 320 : index
      %get3A_501 = tpu.vector_load %arg13[%get3A_500] {strides = array<i32>} : memref<1536xf32, #tpu.memory_space<vmem>>, vector<16xf32>,
      %add3A_502 = arith.addf %add3A_499, %get3A_501 : vector<16xf32>
      %get3A_503 = arith.constant 416 : index
      %get3A_504 = tpu.vector_load %arg13[%get3A_503] {strides = array<i32>} : memref<1536xf32, #tpu.memory_space<vmem>>, vector<16xf32>,
      %add3A_505 = arith.addf %add3A_502, %get3A_504 : vector<16xf32>
      %get3A_506 = arith.constant 512 : index
      %get3A_507 = tpu.vector_load %arg13[%get3A_506] {strides = array<i32>} : memref<1536xf32, #tpu.memory_space<vmem>>, vector<16xf32>,
      %add3A_508 = arith.addf %add3A_505, %get3A_507 : vector<16xf32>
      %get3A_509 = arith.constant 608 : index
      %get3A_510 = tpu.vector_load %arg13[%get3A_509] {strides = array<i32>} : memref<1536xf32, #tpu.memory_space<vmem>>, vector<16xf32>,
      %add3A_511 = arith.addf %add3A_508, %get3A_510 : vector<16xf32>
      %get3A_512 = arith.constant 704 : index
      %get3A_513 = tpu.vector_load %arg13[%get3A_512] {strides = array<i32>} : memref<1536xf32, #tpu.memory_space<vmem>>, vector<16xf32>,
      %add3A_514 = arith.addf %add3A_511, %get3A_513 : vector<16xf32>
      %get3A_515 = arith.constant 800 : index
      %get3A_516 = tpu.vector_load %arg13[%get3A_515] {strides = array<i32>} : memref<1536xf32, #tpu.memory_space<vmem>>, vector<16xf32>,
      %add3A_517 = arith.addf %add3A_514, %get3A_516 : vector<16xf32>
      %get3A_518 = arith.constant 896 : index
      %get3A_519 = tpu.vector_load %arg13[%get3A_518] {strides = array<i32>} : memref<1536xf32, #tpu.memory_space<vmem>>, vector<16xf32>,
      %add3A_520 = arith.addf %add3A_517, %get3A_519 : vector<16xf32>
      %get3A_521 = arith.constant 992 : index
      %get3A_522 = tpu.vector_load %arg13[%get3A_521] {strides = array<i32>} : memref<1536xf32, #tpu.memory_space<vmem>>, vector<16xf32>,
      %add3A_523 = arith.addf %add3A_520, %get3A_522 : vector<16xf32>
      %get3A_524 = arith.constant 1088 : index
      %get3A_525 = tpu.vector_load %arg13[%get3A_524] {strides = array<i32>} : memref<1536xf32, #tpu.memory_space<vmem>>, vector<16xf32>,
      %add3A_526 = arith.addf %add3A_523, %get3A_525 : vector<16xf32>
      %get3A_527 = arith.constant 1184 : index
      %get3A_528 = tpu.vector_load %arg13[%get3A_527] {strides = array<i32>} : memref<1536xf32, #tpu.memory_space<vmem>>, vector<16xf32>,
      %add3A_529 = arith.addf %add3A_526, %get3A_528 : vector<16xf32>
      %get3A_530 = arith.constant 1280 : index
      %get3A_531 = tpu.vector_load %arg13[%get3A_530] {strides = array<i32>} : memref<1536xf32, #tpu.memory_space<vmem>>, vector<16xf32>,
      %add3A_532 = arith.addf %add3A_529, %get3A_531 : vector<16xf32>
      %get3A_533 = arith.constant 1376 : index
      %get3A_534 = tpu.vector_load %arg13[%get3A_533] {strides = array<i32>} : memref<1536xf32, #tpu.memory_space<vmem>>, vector<16xf32>,
      %add3A_535 = arith.addf %add3A_532, %get3A_534 : vector<16xf32>
      %get3A_536 = arith.constant 1472 : index
      %get3A_537 = tpu.vector_load %arg13[%get3A_536] {strides = array<i32>} : memref<1536xf32, #tpu.memory_space<vmem>>, vector<16xf32>,
      %add3A_538 = arith.addf %add3A_535, %get3A_537 : vector<16xf32>
      %get3A_539 = arith.constant 32 : index
      %get3A_540 = tpu.vector_load %arg12[%get3A_539] {strides = array<i32>} : memref<96xf32, #tpu.memory_space<vmem>>, vector<16xf32>,
      %mul3A_541 = arith.mulf %add3A_538, %get3A_540 : vector<16xf32>
      %swap3A_542 = arith.constant 24608 : index
      %swap3A_543 = tpu.vector_load %arg8[%swap3A_542] {strides = array<i32>} : memref<24672xf32, #tpu.memory_space<vmem>>, vector<16xf32>,
      tpu.vector_store %arg8[%swap3A_542], %mul3A_541 {strides = array<i32>} : memref<24672xf32, #tpu.memory_space<vmem>>, vector<16xf32>,
      %get3A_544 = arith.constant 48 : index
      %get3A_545 = tpu.vector_load %arg13[%get3A_544] {strides = array<i32>} : memref<1536xf32, #tpu.memory_space<vmem>>, vector<16xf32>,
      %add3A_546 = arith.addf %broadcast_in_dim3A_4, %get3A_545 : vector<16xf32>
      %get3A_547 = arith.constant 144 : index
      %get3A_548 = tpu.vector_load %arg13[%get3A_547] {strides = array<i32>} : memref<1536xf32, #tpu.memory_space<vmem>>, vector<16xf32>,
      %add3A_549 = arith.addf %add3A_546, %get3A_548 : vector<16xf32>
      %get3A_550 = arith.constant 240 : index
      %get3A_551 = tpu.vector_load %arg13[%get3A_550] {strides = array<i32>} : memref<1536xf32, #tpu.memory_space<vmem>>, vector<16xf32>,
      %add3A_552 = arith.addf %add3A_549, %get3A_551 : vector<16xf32>
      %get3A_553 = arith.constant 336 : index
      %get3A_554 = tpu.vector_load %arg13[%get3A_553] {strides = array<i32>} : memref<1536xf32, #tpu.memory_space<vmem>>, vector<16xf32>,
      %add3A_555 = arith.addf %add3A_552, %get3A_554 : vector<16xf32>
      %get3A_556 = arith.constant 432 : index
      %get3A_557 = tpu.vector_load %arg13[%get3A_556] {strides = array<i32>} : memref<1536xf32, #tpu.memory_space<vmem>>, vector<16xf32>,
      %add3A_558 = arith.addf %add3A_555, %get3A_557 : vector<16xf32>
      %get3A_559 = arith.constant 528 : index
      %get3A_560 = tpu.vector_load %arg13[%get3A_559] {strides = array<i32>} : memref<1536xf32, #tpu.memory_space<vmem>>, vector<16xf32>,
      %add3A_561 = arith.addf %add3A_558, %get3A_560 : vector<16xf32>
      %get3A_562 = arith.constant 624 : index
      %get3A_563 = tpu.vector_load %arg13[%get3A_562] {strides = array<i32>} : memref<1536xf32, #tpu.memory_space<vmem>>, vector<16xf32>,
      %add3A_564 = arith.addf %add3A_561, %get3A_563 : vector<16xf32>
      %get3A_565 = arith.constant 720 : index
      %get3A_566 = tpu.vector_load %arg13[%get3A_565] {strides = array<i32>} : memref<1536xf32, #tpu.memory_space<vmem>>, vector<16xf32>,
      %add3A_567 = arith.addf %add3A_564, %get3A_566 : vector<16xf32>
      %get3A_568 = arith.constant 816 : index
      %get3A_569 = tpu.vector_load %arg13[%get3A_568] {strides = array<i32>} : memref<1536xf32, #tpu.memory_space<vmem>>, vector<16xf32>,
      %add3A_570 = arith.addf %add3A_567, %get3A_569 : vector<16xf32>
      %get3A_571 = arith.constant 912 : index
      %get3A_572 = tpu.vector_load %arg13[%get3A_571] {strides = array<i32>} : memref<1536xf32, #tpu.memory_space<vmem>>, vector<16xf32>,
      %add3A_573 = arith.addf %add3A_570, %get3A_572 : vector<16xf32>
      %get3A_574 = arith.constant 1008 : index
      %get3A_575 = tpu.vector_load %arg13[%get3A_574] {strides = array<i32>} : memref<1536xf32, #tpu.memory_space<vmem>>, vector<16xf32>,
      %add3A_576 = arith.addf %add3A_573, %get3A_575 : vector<16xf32>
      %get3A_577 = arith.constant 1104 : index
      %get3A_578 = tpu.vector_load %arg13[%get3A_577] {strides = array<i32>} : memref<1536xf32, #tpu.memory_space<vmem>>, vector<16xf32>,
      %add3A_579 = arith.addf %add3A_576, %get3A_578 : vector<16xf32>
      %get3A_580 = arith.constant 1200 : index
      %get3A_581 = tpu.vector_load %arg13[%get3A_580] {strides = array<i32>} : memref<1536xf32, #tpu.memory_space<vmem>>, vector<16xf32>,
      %add3A_582 = arith.addf %add3A_579, %get3A_581 : vector<16xf32>
      %get3A_583 = arith.constant 1296 : index
      %get3A_584 = tpu.vector_load %arg13[%get3A_583] {strides = array<i32>} : memref<1536xf32, #tpu.memory_space<vmem>>, vector<16xf32>,
      %add3A_585 = arith.addf %add3A_582, %get3A_584 : vector<16xf32>
      %get3A_586 = arith.constant 1392 : index
      %get3A_587 = tpu.vector_load %arg13[%get3A_586] {strides = array<i32>} : memref<1536xf32, #tpu.memory_space<vmem>>, vector<16xf32>,
      %add3A_588 = arith.addf %add3A_585, %get3A_587 : vector<16xf32>
      %get3A_589 = arith.constant 1488 : index
      %get3A_590 = tpu.vector_load %arg13[%get3A_589] {strides = array<i32>} : memref<1536xf32, #tpu.memory_space<vmem>>, vector<16xf32>,
      %add3A_591 = arith.addf %add3A_588, %get3A_590 : vector<16xf32>
      %get3A_592 = arith.constant 48 : index
      %get3A_593 = tpu.vector_load %arg12[%get3A_592] {strides = array<i32>} : memref<96xf32, #tpu.memory_space<vmem>>, vector<16xf32>,
      %mul3A_594 = arith.mulf %add3A_591, %get3A_593 : vector<16xf32>
      %swap3A_595 = arith.constant 24624 : index
      %swap3A_596 = tpu.vector_load %arg8[%swap3A_595] {strides = array<i32>} : memref<24672xf32, #tpu.memory_space<vmem>>, vector<16xf32>,
      tpu.vector_store %arg8[%swap3A_595], %mul3A_594 {strides = array<i32>} : memref<24672xf32, #tpu.memory_space<vmem>>, vector<16xf32>,
      %get3A_597 = arith.constant 64 : index
      %get3A_598 = tpu.vector_load %arg13[%get3A_597] {strides = array<i32>} : memref<1536xf32, #tpu.memory_space<vmem>>, vector<16xf32>,
      %add3A_599 = arith.addf %broadcast_in_dim3A_4, %get3A_598 : vector<16xf32>
      %get3A_600 = arith.constant 160 : index
      %get3A_601 = tpu.vector_load %arg13[%get3A_600] {strides = array<i32>} : memref<1536xf32, #tpu.memory_space<vmem>>, vector<16xf32>,
      %add3A_602 = arith.addf %add3A_599, %get3A_601 : vector<16xf32>
      %get3A_603 = arith.constant 256 : index
      %get3A_604 = tpu.vector_load %arg13[%get3A_603] {strides = array<i32>} : memref<1536xf32, #tpu.memory_space<vmem>>, vector<16xf32>,
      %add3A_605 = arith.addf %add3A_602, %get3A_604 : vector<16xf32>
      %get3A_606 = arith.constant 352 : index
      %get3A_607 = tpu.vector_load %arg13[%get3A_606] {strides = array<i32>} : memref<1536xf32, #tpu.memory_space<vmem>>, vector<16xf32>,
      %add3A_608 = arith.addf %add3A_605, %get3A_607 : vector<16xf32>
      %get3A_609 = arith.constant 448 : index
      %get3A_610 = tpu.vector_load %arg13[%get3A_609] {strides = array<i32>} : memref<1536xf32, #tpu.memory_space<vmem>>, vector<16xf32>,
      %add3A_611 = arith.addf %add3A_608, %get3A_610 : vector<16xf32>
      %get3A_612 = arith.constant 544 : index
      %get3A_613 = tpu.vector_load %arg13[%get3A_612] {strides = array<i32>} : memref<1536xf32, #tpu.memory_space<vmem>>, vector<16xf32>,
      %add3A_614 = arith.addf %add3A_611, %get3A_613 : vector<16xf32>
      %get3A_615 = arith.constant 640 : index
      %get3A_616 = tpu.vector_load %arg13[%get3A_615] {strides = array<i32>} : memref<1536xf32, #tpu.memory_space<vmem>>, vector<16xf32>,
      %add3A_617 = arith.addf %add3A_614, %get3A_616 : vector<16xf32>
      %get3A_618 = arith.constant 736 : index
      %get3A_619 = tpu.vector_load %arg13[%get3A_618] {strides = array<i32>} : memref<1536xf32, #tpu.memory_space<vmem>>, vector<16xf32>,
      %add3A_620 = arith.addf %add3A_617, %get3A_619 : vector<16xf32>
      %get3A_621 = arith.constant 832 : index
      %get3A_622 = tpu.vector_load %arg13[%get3A_621] {strides = array<i32>} : memref<1536xf32, #tpu.memory_space<vmem>>, vector<16xf32>,
      %add3A_623 = arith.addf %add3A_620, %get3A_622 : vector<16xf32>
      %get3A_624 = arith.constant 928 : index
      %get3A_625 = tpu.vector_load %arg13[%get3A_624] {strides = array<i32>} : memref<1536xf32, #tpu.memory_space<vmem>>, vector<16xf32>,
      %add3A_626 = arith.addf %add3A_623, %get3A_625 : vector<16xf32>
      %get3A_627 = arith.constant 1024 : index
      %get3A_628 = tpu.vector_load %arg13[%get3A_627] {strides = array<i32>} : memref<1536xf32, #tpu.memory_space<vmem>>, vector<16xf32>,
      %add3A_629 = arith.addf %add3A_626, %get3A_628 : vector<16xf32>
      %get3A_630 = arith.constant 1120 : index
      %get3A_631 = tpu.vector_load %arg13[%get3A_630] {strides = array<i32>} : memref<1536xf32, #tpu.memory_space<vmem>>, vector<16xf32>,
      %add3A_632 = arith.addf %add3A_629, %get3A_631 : vector<16xf32>
      %get3A_633 = arith.constant 1216 : index
      %get3A_634 = tpu.vector_load %arg13[%get3A_633] {strides = array<i32>} : memref<1536xf32, #tpu.memory_space<vmem>>, vector<16xf32>,
      %add3A_635 = arith.addf %add3A_632, %get3A_634 : vector<16xf32>
      %get3A_636 = arith.constant 1312 : index
      %get3A_637 = tpu.vector_load %arg13[%get3A_636] {strides = array<i32>} : memref<1536xf32, #tpu.memory_space<vmem>>, vector<16xf32>,
      %add3A_638 = arith.addf %add3A_635, %get3A_637 : vector<16xf32>
      %get3A_639 = arith.constant 1408 : index
      %get3A_640 = tpu.vector_load %arg13[%get3A_639] {strides = array<i32>} : memref<1536xf32, #tpu.memory_space<vmem>>, vector<16xf32>,
      %add3A_641 = arith.addf %add3A_638, %get3A_640 : vector<16xf32>
      %get3A_642 = arith.constant 1504 : index
      %get3A_643 = tpu.vector_load %arg13[%get3A_642] {strides = array<i32>} : memref<1536xf32, #tpu.memory_space<vmem>>, vector<16xf32>,
      %add3A_644 = arith.addf %add3A_641, %get3A_643 : vector<16xf32>
      %get3A_645 = arith.constant 64 : index
      %get3A_646 = tpu.vector_load %arg12[%get3A_645] {strides = array<i32>} : memref<96xf32, #tpu.memory_space<vmem>>, vector<16xf32>,
      %mul3A_647 = arith.mulf %add3A_644, %get3A_646 : vector<16xf32>
      %swap3A_648 = arith.constant 24640 : index
      %swap3A_649 = tpu.vector_load %arg8[%swap3A_648] {strides = array<i32>} : memref<24672xf32, #tpu.memory_space<vmem>>, vector<16xf32>,
      tpu.vector_store %arg8[%swap3A_648], %mul3A_647 {strides = array<i32>} : memref<24672xf32, #tpu.memory_space<vmem>>, vector<16xf32>,
      %get3A_650 = arith.constant 80 : index
      %get3A_651 = tpu.vector_load %arg13[%get3A_650] {strides = array<i32>} : memref<1536xf32, #tpu.memory_space<vmem>>, vector<16xf32>,
      %add3A_652 = arith.addf %broadcast_in_dim3A_4, %get3A_651 : vector<16xf32>
      %get3A_653 = arith.constant 176 : index
      %get3A_654 = tpu.vector_load %arg13[%get3A_653] {strides = array<i32>} : memref<1536xf32, #tpu.memory_space<vmem>>, vector<16xf32>,
      %add3A_655 = arith.addf %add3A_652, %get3A_654 : vector<16xf32>
      %get3A_656 = arith.constant 272 : index
      %get3A_657 = tpu.vector_load %arg13[%get3A_656] {strides = array<i32>} : memref<1536xf32, #tpu.memory_space<vmem>>, vector<16xf32>,
      %add3A_658 = arith.addf %add3A_655, %get3A_657 : vector<16xf32>
      %get3A_659 = arith.constant 368 : index
      %get3A_660 = tpu.vector_load %arg13[%get3A_659] {strides = array<i32>} : memref<1536xf32, #tpu.memory_space<vmem>>, vector<16xf32>,
      %add3A_661 = arith.addf %add3A_658, %get3A_660 : vector<16xf32>
      %get3A_662 = arith.constant 464 : index
      %get3A_663 = tpu.vector_load %arg13[%get3A_662] {strides = array<i32>} : memref<1536xf32, #tpu.memory_space<vmem>>, vector<16xf32>,
      %add3A_664 = arith.addf %add3A_661, %get3A_663 : vector<16xf32>
      %get3A_665 = arith.constant 560 : index
      %get3A_666 = tpu.vector_load %arg13[%get3A_665] {strides = array<i32>} : memref<1536xf32, #tpu.memory_space<vmem>>, vector<16xf32>,
      %add3A_667 = arith.addf %add3A_664, %get3A_666 : vector<16xf32>
      %get3A_668 = arith.constant 656 : index
      %get3A_669 = tpu.vector_load %arg13[%get3A_668] {strides = array<i32>} : memref<1536xf32, #tpu.memory_space<vmem>>, vector<16xf32>,
      %add3A_670 = arith.addf %add3A_667, %get3A_669 : vector<16xf32>
      %get3A_671 = arith.constant 752 : index
      %get3A_672 = tpu.vector_load %arg13[%get3A_671] {strides = array<i32>} : memref<1536xf32, #tpu.memory_space<vmem>>, vector<16xf32>,
      %add3A_673 = arith.addf %add3A_670, %get3A_672 : vector<16xf32>
      %get3A_674 = arith.constant 848 : index
      %get3A_675 = tpu.vector_load %arg13[%get3A_674] {strides = array<i32>} : memref<1536xf32, #tpu.memory_space<vmem>>, vector<16xf32>,
      %add3A_676 = arith.addf %add3A_673, %get3A_675 : vector<16xf32>
      %get3A_677 = arith.constant 944 : index
      %get3A_678 = tpu.vector_load %arg13[%get3A_677] {strides = array<i32>} : memref<1536xf32, #tpu.memory_space<vmem>>, vector<16xf32>,
      %add3A_679 = arith.addf %add3A_676, %get3A_678 : vector<16xf32>
      %get3A_680 = arith.constant 1040 : index
      %get3A_681 = tpu.vector_load %arg13[%get3A_680] {strides = array<i32>} : memref<1536xf32, #tpu.memory_space<vmem>>, vector<16xf32>,
      %add3A_682 = arith.addf %add3A_679, %get3A_681 : vector<16xf32>
      %get3A_683 = arith.constant 1136 : index
      %get3A_684 = tpu.vector_load %arg13[%get3A_683] {strides = array<i32>} : memref<1536xf32, #tpu.memory_space<vmem>>, vector<16xf32>,
      %add3A_685 = arith.addf %add3A_682, %get3A_684 : vector<16xf32>
      %get3A_686 = arith.constant 1232 : index
      %get3A_687 = tpu.vector_load %arg13[%get3A_686] {strides = array<i32>} : memref<1536xf32, #tpu.memory_space<vmem>>, vector<16xf32>,
      %add3A_688 = arith.addf %add3A_685, %get3A_687 : vector<16xf32>
      %get3A_689 = arith.constant 1328 : index
      %get3A_690 = tpu.vector_load %arg13[%get3A_689] {strides = array<i32>} : memref<1536xf32, #tpu.memory_space<vmem>>, vector<16xf32>,
      %add3A_691 = arith.addf %add3A_688, %get3A_690 : vector<16xf32>
      %get3A_692 = arith.constant 1424 : index
      %get3A_693 = tpu.vector_load %arg13[%get3A_692] {strides = array<i32>} : memref<1536xf32, #tpu.memory_space<vmem>>, vector<16xf32>,
      %add3A_694 = arith.addf %add3A_691, %get3A_693 : vector<16xf32>
      %get3A_695 = arith.constant 1520 : index
      %get3A_696 = tpu.vector_load %arg13[%get3A_695] {strides = array<i32>} : memref<1536xf32, #tpu.memory_space<vmem>>, vector<16xf32>,
      %add3A_697 = arith.addf %add3A_694, %get3A_696 : vector<16xf32>
      %get3A_698 = arith.constant 80 : index
      %get3A_699 = tpu.vector_load %arg12[%get3A_698] {strides = array<i32>} : memref<96xf32, #tpu.memory_space<vmem>>, vector<16xf32>,
      %mul3A_700 = arith.mulf %add3A_697, %get3A_699 : vector<16xf32>
      %swap3A_701 = arith.constant 24656 : index
      %swap3A_702 = tpu.vector_load %arg8[%swap3A_701] {strides = array<i32>} : memref<24672xf32, #tpu.memory_space<vmem>>, vector<16xf32>,
      tpu.vector_store %arg8[%swap3A_701], %mul3A_700 {strides = array<i32>} : memref<24672xf32, #tpu.memory_space<vmem>>, vector<16xf32>,
      "tpu.region"() ({
        %run_scoped3A = tpu.sem_alloc : memref<!tpu.dma_semaphore, #tpu.memory_space<semaphore_mem>>
        %dma_start3A = arith.constant 0 : i32
        %dma_start3A_704 = tpu.memref_slice %arg6[%add3A_363, %dma_start3A] : memref<1024x24672xf32, #tpu.memory_space<hbm>> -> memref<1x24672xf32, #tpu.memory_space<hbm>>
        %dma_start3A_705 = tpu.memref_squeeze %dma_start3A_704 : memref<1x24672xf32, #tpu.memory_space<hbm>> -> memref<24672xf32, #tpu.memory_space<hbm>>
        %dma_start3A_706 = arith.constant 0 : i32
        %dma_start3A_707 = tpu.memref_slice %arg6[%add3A_363, %dma_start3A_706] : memref<1024x24672xf32, #tpu.memory_space<hbm>> -> memref<1x24672xf32, #tpu.memory_space<hbm>>
        %dma_start3A_708 = tpu.memref_squeeze %dma_start3A_707 : memref<1x24672xf32, #tpu.memory_space<hbm>> -> memref<24672xf32, #tpu.memory_space<hbm>>
        tpu.enqueue_dma source(%arg8 : memref<24672xf32, #tpu.memory_space<vmem>>) target(%dma_start3A_708 : memref<24672xf32, #tpu.memory_space<hbm>>) target_semaphore(%run_scoped3A : memref<!tpu.dma_semaphore, #tpu.memory_space<semaphore_mem>>)
        %dma_wait3A = arith.constant 0 : i32
        %dma_wait3A_709 = tpu.memref_slice %arg6[%add3A_363, %dma_wait3A] : memref<1024x24672xf32, #tpu.memory_space<hbm>> -> memref<1x24672xf32, #tpu.memory_space<hbm>>
        %dma_wait3A_710 = tpu.memref_squeeze %dma_wait3A_709 : memref<1x24672xf32, #tpu.memory_space<hbm>> -> memref<24672xf32, #tpu.memory_space<hbm>>
        %dma_wait3A_711 = arith.constant 0 : i32
        %dma_wait3A_712 = tpu.memref_slice %arg6[%add3A_363, %dma_wait3A_711] : memref<1024x24672xf32, #tpu.memory_space<hbm>> -> memref<1x24672xf32, #tpu.memory_space<hbm>>
        %dma_wait3A_713 = tpu.memref_squeeze %dma_wait3A_712 : memref<1x24672xf32, #tpu.memory_space<hbm>> -> memref<24672xf32, #tpu.memory_space<hbm>>
        tpu.wait_dma2 semaphore(%run_scoped3A : memref<!tpu.dma_semaphore, #tpu.memory_space<semaphore_mem>>) src(%arg8 : memref<24672xf32, #tpu.memory_space<vmem>>) dst(%dma_wait3A_713 : memref<24672xf32, #tpu.memory_space<hbm>>)
        tpu.yield
      }) : () -> ()
      %scan3A_703 = arith.constant 0 : i32
      scf.yield %scan3A_703 : i32
    }
    %scan3A_358 = arith.constant 32 : i32
    return
  }
}

</mosaic_0001>

<sc_bundles>
// kernel: kernel.3.cloned.1.call-start
scs
__scs_entry_jumppad:
0x0: {  	(pc) =	sbr.rel $0x88, $3  }
0x1: {  	(tag) =	ssettag $0x0;
	lr =	simm.s32 $0x1  }
0x2: {  	[smem:$0x3F9D] =	sst lr;
	_ =	strace $0xD0000000  }
0x3: {  	_ = 	snop  }
0x4: {  	_ = 	snop  }
0x5: {  	_ = 	snop  }
0x6: {  	_ = 	snop  }
0x7: {  	_ = 	snop  }
__scs_overlays_trampoline_lowered:
0x8: {  	[smem:$0x3FAC] =	sst s0  }
0x9: {  	[smem:$0x3FAD] =	sst s1  }
0xa: {  	[smem:$0x3FAE] =	sst s2  }
0xb: {  	[smem:$0x3FAF] =	sst s3  }
0xc: {  	[smem:$0x3FB0] =	sst s4  }
0xd: {  	[smem:$0x3FB1] =	sst s5  }
0xe: {  	[smem:$0x3FB2] =	sst s6  }
0xf: {  	[smem:$0x3FB3] =	sst s7  }
0x10: {  	[smem:$0x3FB4] =	sst s8  }
0x11: {  	[smem:$0x3FB5] =	sst s9;
	s0 =	simm.s32 @!p0 $0x0  }
0x12: {  	s1 =	sld [smem:$0x3F9B];
	s0 =	simm.s32 @p0 $0x1  }
0x13: {  	[smem:$0x3FB6] =	sst s0;
	s0 =	simm.s32 @!p1 $0x0  }
0x14: {  	s2 =	sld [smem:$0x3F9A];
	s0 =	simm.s32 @p1 $0x1  }
0x15: {  	[smem:$0x3FB7] =	sst s0;
	s0 =	simm.s32 @!p2 $0x0  }
0x16: {  	s3 =	sld [smem:$0x3FDB];
	s0 =	simm.s32 @p2 $0x1  }
0x17: {  	s4 =	simm.s32 $0x1BF5;
	[smem:$0x3FB9] =	sst s0  }
0x18: {  	s0 =	sld [smem:$0x3F9C];
	_ =	swait.ge [sflag:s4], $0x0  }
0x19: {  	s7 =	sld [smem:$0x3F9D]  }
0x1a: {  	s8 =	sadd.s32 $0xFFFFE003, lr  }
0x1b: {  	s9 =	sadd.s32 $0xFFFFFEF7, lr;
	s5 =	simm.s32 $0xFFFFFFFF;
	p2 =	slt.u32 s8, $0xFFFFF086  }
0x1c: {  	p1 =	slt.u32 s9, $0xF7A;
	s5 =	simm.s32 @!p2 $0x0  }
0x1d: {  	s5 =	simm.s32 @p1 $0x1;
	p0 =	seq.s32 s7, s2  }
0x1e: {  	s7 =	smul.u32 @!p0 $0xF7A, s2;
	p2 =	seq.s32 @!p0 s5, $0x0  }
0x1f: {  	s9 =	smul.u32 $0xF7A, s1;
	s8 =	simm.s32 @!p0 $0x1BF5;
	p2 =	por !p2, p0  }
0x20: {  	[sflag:s8] =	ssyncset.s32 @!p0 $0xFFFFF086;
	s6 =	sadd.s32 @!p0 s3, s7;
	s7 =	simm.s32 @!p0 $0x108  }
0x21: {  	s3 =	sadd.s32 s3, s9;
	s6 =	sadd.s32 @!p0 $0x88, s6;
	s7 =	simm.s32 @p2 $0x1082  }
0x22: {  	[simem:s7], [sflag:s8] =	dma.local @!p0 [hbm:s6], $0xF7A  }
0x23: {  	s9 =	sor.u32 $0xD0000000, s2;
	s6 =	simm.s32 $0x108;
	_ =	swait.ge @!p0 [sflag:s8], $0x0  }
0x24: {  	s3 =	sadd.s32 $0x88, s3;
	s6 =	simm.s32 @!p1 $0x1082;
	[sflag:s4] =	ssyncset.s32 $0xFFFFF086  }
0x25: {  	[simem:s6], [sflag:s4] =	dma.local [hbm:s3], $0xF7A  }
0x26: {  	[smem:$0x3F9D] =	sst s1;
	(tag) =	ssettag s2;
	_ =	strace s9  }
0x27: {  	s1 =	sld [smem:$0x3FAD]  }
0x28: {  	s2 =	sld [smem:$0x3FAE]  }
0x29: {  	s4 =	sld [smem:$0x3FB0]  }
0x2a: {  	p0 =	seq.s32 s5, $0x0;
	s5 =	sld [smem:$0x3FB1]  }
0x2b: {  	s6 =	sld [smem:$0x3FB2]  }
0x2c: {  	s7 =	sld [smem:$0x3FB3]  }
0x2d: {  	s3 =	simm.s32 $0x108;
	s8 =	sld [smem:$0x3FB4]  }
0x2e: {  	s3 =	simm.s32 @!p0 $0x1082;
	s9 =	sld [smem:$0x3FB5]  }
0x2f: {  	lr =	sadd.s32 s0, s3;
	s0 =	sld [smem:$0x3FAC]  }
0x30: {  	s3 =	sld [smem:$0x3FAF]  }
0x31: {  	[smem:$0x3FB8] =	sst s10  }
0x32: {  	s10 =	sld [smem:$0x3FB6];
	_ =	sdelay $0x3  }
0x33: {  	p0 =	seq.s32 s10, $0x1;
	s10 =	sld [smem:$0x3FB8];
	_ =	sdelay $0x3  }
0x34: {  	[smem:$0x3FB8] =	sst s10  }
0x35: {  	s10 =	sld [smem:$0x3FB7];
	_ =	sdelay $0x3  }
0x36: {  	p1 =	seq.s32 s10, $0x1;
	s10 =	sld [smem:$0x3FB8];
	_ =	sdelay $0x3  }
0x37: {  	[smem:$0x3FB8] =	sst s10  }
0x38: {  	s10 =	sld [smem:$0x3FB9]  }
0x39: {  	_ = 	snop;
	(pc) =	sbr.ind lr, $3  }
0x3a: {  	_ = 	snop  }
0x3b: {  	_ = 	snop  }
0x3c: {  	p2 =	seq.s32 s10, $0x1;
	s10 =	sld [smem:$0x3FB8]  }
0x3d: {  	_ =	shalt  }
0x3e: {  	_ =	shalt  }
0x3f: {  	_ =	shalt  }
0x40: {  	_ =	shalt  }
0x41: {  	_ =	shalt  }
0x42: {  	_ =	shalt  }
0x43: {  	_ =	shalt  }
0x44: {  	_ =	shalt  }
0x45: {  	_ =	shalt  }
0x46: {  	_ =	shalt  }
0x47: {  	_ =	shalt  }
0x48: {  	_ =	shalt  }
0x49: {  	_ =	shalt  }
0x4a: {  	_ =	shalt  }
0x4b: {  	_ =	shalt  }
0x4c: {  	_ =	shalt  }
0x4d: {  	_ =	shalt  }
0x4e: {  	_ =	shalt  }
0x4f: {  	_ =	shalt  }
0x50: {  	_ =	shalt  }
0x51: {  	_ =	shalt  }
0x52: {  	_ =	shalt  }
0x53: {  	_ =	shalt  }
0x54: {  	_ =	shalt  }
0x55: {  	_ =	shalt  }
0x56: {  	_ =	shalt  }
0x57: {  	_ =	shalt  }
0x58: {  	_ =	shalt  }
0x59: {  	_ =	shalt  }
0x5a: {  	_ =	shalt  }
0x5b: {  	_ =	shalt  }
0x5c: {  	_ =	shalt  }
0x5d: {  	_ =	shalt  }
0x5e: {  	_ =	shalt  }
0x5f: {  	_ =	shalt  }
0x60: {  	_ =	shalt  }
0x61: {  	_ =	shalt  }
0x62: {  	_ =	shalt  }
0x63: {  	_ =	shalt  }
0x64: {  	_ =	shalt  }
0x65: {  	_ =	shalt  }
0x66: {  	_ =	shalt  }
0x67: {  	_ =	shalt  }
0x68: {  	_ =	shalt  }
0x69: {  	_ =	shalt  }
0x6a: {  	_ =	shalt  }
0x6b: {  	_ =	shalt  }
0x6c: {  	_ =	shalt  }
0x6d: {  	_ =	shalt  }
0x6e: {  	_ =	shalt  }
0x6f: {  	_ =	shalt  }
0x70: {  	_ =	shalt  }
0x71: {  	_ =	shalt  }
0x72: {  	_ =	shalt  }
0x73: {  	_ =	shalt  }
0x74: {  	_ =	shalt  }
0x75: {  	_ =	shalt  }
0x76: {  	_ =	shalt  }
0x77: {  	_ =	shalt  }
0x78: {  	_ =	shalt  }
0x79: {  	_ =	shalt  }
0x7a: {  	_ =	shalt  }
0x7b: {  	_ =	shalt  }
0x7c: {  	_ =	shalt  }
0x7d: {  	_ =	shalt  }
0x7e: {  	_ =	shalt  }
0x7f: {  	_ =	shalt  }
0x80: {  	_ =	shalt  }
0x81: {  	_ =	shalt  }
0x82: {  	_ =	shalt  }
0x83: {  	_ =	shalt  }
0x84: {  	_ =	shalt  }
0x85: {  	_ =	shalt  }
0x86: {  	_ =	shalt  }
0x87: {  	_ =	shalt  }
.Lfunc_end0:
.L_simem_size_0:
called_computation.1_lowered:
.L_overlay_start_0:
0x88: {  	s2 =	sld [smem:$0x3FD9]  }
0x89: {  	s3 =	sld [smem:$0x3FFE];
	_ =	sdelay $0x1  }
0x8a: {  	s1 =	srdreg.scid  }
0x8b: {  	s0 =	sand.u32 $0x1, s1  }
0x8c: {  	s17 =	sshll.u32 s0, $0xA;
	s2 =	sadd.s32 s3, s2  }
0x8d: {  	s2 =	sadd.s32 s2, s17  }
0x8e: {  	[smem:$0x3FC4] =	sst s2  }
0x8f: {  	_ = 	snop  }
0x90: {  	s2 =	sld [smem:$0x3FC8]  }
0x91: {  	s18 =	sld [smem:$0x3FC7]  }
0x92: {  	s4 =	sld [smem:$0x3FC6];
	(tm) =	ssettm $0x1  }
0x93: {  	s5 =	sld [smem:$0x3FFB];
	_ =	sdelay $0x3  }
0x94: {  	_ =	strace s5  }
0x95: {  	s5 =	sld [smem:$0x3FFC];
	_ =	sdelay $0x3  }
0x96: {  	_ =	strace s5  }
0x97: {  	s5 =	sld [smem:$0x3FFD];
	_ =	sdelay $0x3  }
0x98: {  	_ =	strace s5  }
0x99: {  	_ =	strace $0x8FFFFFFF  }
0x9a: {  	s19 =	sld [smem:$0x3FDB];
	_ =	sdelay $0x1  }
0x9b: {  	s6 =	simm.s32 $_scs_section_size  }
0x9c: {  	s7 =	simm.s32 $_size__tile_overlayer_lowered;
	s8 =	simm.s32 $_tile_overlayer_lowered  }
0x9d: {  	s22 =	simm.s32 $0x1BFF;
	s21 =	sshll.u32 s8, $0x1;
	s5 =	sadd.s32 s6, s19  }
0x9e: {  	s9 =	simm.s32 $0x0;
	s20 =	sshll.u32 s7, $0x1;
	s7 =	sadd.s32 s21, s5  }
0x9f: {  	[timem:s9], [sflag:s22] =	dma.local [hbm:s7], s20  }
0xa0: {  	_ =	swait.ge [sflag:s22], s20  }
0xa1: {  	s6 =	ssub.s32 $0x0, s20;
	[sflag:s22] =	ssyncset.done $0x0  }
0xa2: {  	[sflag:s22] =	ssyncadd.s32 s6;
	_ =	sdelay $0x1  }
0xa3: {  	s23 =	simm.s32 $0x1B8B  }
0xa4: {  	_ =	swait.ge [sflag:s23], $0x1  }
0xa5: {  	[sflag:s23] =	ssyncset.done $0x0  }
0xa6: {  	s25 =	simm.s32 $0x1B8E;
	s24 =	sld [smem:$0x3FFE];
	[sflag:s23] =	ssyncadd.s32 $0xFFFFFFFF  }
0xa7: {  	s26 =	simm.s32 $execute0_lowered;
	[smem:$0x3FD2] =	sst s25  }
0xa8: {  	s7 =	sshll.u32 s26, $0x1;
	_ =	strace $0x80000046;
	[dreg:$0x1] =	wrdreg $0xFFFFFFFF  }
0xa9: {  	s28 =	simm.s32 $_size_execute0_lowered;
	s5 =	sadd.s32 s5, s7;
	[dreg:$0x0] =	wrdreg $0x0  }
0xaa: {  	s7 =	sshll.u32 s28, $0x1;
	[dreg:$0x2] =	wrdreg s5  }
0xab: {  	[dreg:$0x3] =	wrdreg s7  }
0xac: {  	[dreg:$0x4] =	wrdreg $0xC0  }
0xad: {  	_ =	task [dreg:s9], $0x5FFFF  }
0xae: {  	[dreg:$0x1] =	wrdreg $0xFFFFFFFF  }
0xaf: {  	[dreg:$0x0] =	wrdreg $0x60  }
0xb0: {  	[dreg:$0x2] =	wrdreg s24  }
0xb1: {  	[dreg:$0x3] =	wrdreg s2  }
0xb2: {  	[dreg:$0x4] =	wrdreg s18  }
0xb3: {  	[dreg:$0x5] =	wrdreg s4  }
0xb4: {  	[dreg:$0x6] =	wrdreg $0x9  }
0xb5: {  	_ =	task.clear_ibuf [dreg:s9], $0x7FFFF;
	_ =	strace $0x90000046  }
0xb6: {  	s29 =	simm.s32 $0x9;
	_ =	strace $0x80000048  }
0xb7: {  	_ =	swait.ge [sflag:s29], $0x1  }
0xb8: {  	[sflag:s29] =	ssyncadd.s32 $0xFFFFFFFF  }
0xb9: {  	_ =	strace $0x90000048  }
0xba: {  	_ =	sfence  }
0xbb: {  	s30 =	sld [smem:$0x0];
	_ =	sdelay $0x2  }
0xbc: {  	s31 =	sshll.u32 s1, $0xD;
	s1 =	sshrl.u32 s1, $0x2  }
0xbd: {  	s3 =	sand.u32 $0x4000, s31;
	s1 =	sadd.s32 s1, s30  }
0xbe: {  	s0 =	sor.u32 s3, s0;
	s1 =	sshll.u32 s1, $0x11  }
0xbf: {  	s0 =	sor.u32 s1, s0  }
0xc0: {  	s0 =	sadd.s32 $0x8F2B, s0  }
0xc1: {  	[sflag:s0] =	ssyncadd.remote.s32 $0x1  }
0xc2: {  	_ =	sfence.sel $0xFFFF  }
0xc3: {  	[dreg:$0x0] =	wrdreg $0xFFFFFFFF;
	(pc) =	sbr.abs _section_cstart, $3  }
0xc4: {  	[dreg:$0x1] =	wrdreg $0xFFFFFFFF  }
0xc5: {  	_ =	task.clear_ibuf [dreg:s9], $0x2FFFF;
	_ =	strace $0x9FFFFFFF  }
0xc6: {  	(tm) =	ssettm $0x7FFFFFFF  }
0xc7: {  	_ =	shalt  }
tec
execute0_lowered:
.L_overlay_start_1:
0x0: {  	(tag) =	ssettag $0x1  }
0x1: {  	s7 =	rddreg [dreg:$0x0]  }
0x2: {  	s1 =	rddreg [dreg:$0x1]  }
0x3: {  	s2 =	rddreg [dreg:$0x2]  }
0x4: {  	s3 =	rddreg [dreg:$0x3]  }
0x5: {  	s0 =	rddreg [dreg:$0x4]  }
0x6: {  	s4 =	simm.s32 $0x0;
	s5 =	srdreg.scid;
	s11 =	simm.s32 $0x1  }
0x7: {  	s12 =	simm.s32 $0xFB80;
	s13 =	simm.s32 $0x10B80;
	s14 =	simm.s32 $0x11C00  }
0x8: {  	s15 =	simm.s32 $0x80;
	s16 =	simm.s32 $0x400;
	s17 =	simm.s32 $0x7B00  }
0x9: {  	v1 =	vlaneseq.u32;
	s18 =	simm.s32 $0x0;
	[smem:$0x7FF] =	sst s4;
	s8 =	sand.u32 $0x1, s5  }
0xa: {  	s6 =	sadd.s32 $0x800, s7;
	s5 =	stileid.u32;
	v0 =	vmul.u32 $0x60, v1;
	s9 =	ssub.s32 $0x2, s8  }
0xb: {  	s7 =	sadd.s32 $0x3D8800, s7;
	v1 =	vmul.u32 $0x3, v1;
	_ =	strace $0x80000047;
	s10 =	sshrl.u32 s9, $0x1  }
0xc: {  	v2 =	vimm.f32 $0.0e+00;
	v3 =	vimm.f32 $1.000000000e+00;
	s31 =	sshll.u32 s5, $0x6;
	s8 =	sshll.u32 s8, $0x5;
	v4 =	vor.u32 $0x1, v0;
	s9 =	ssub.s32 s9, s10  }
0xd: {  	s8 =	sor.u32 s8, s31;
	v5 =	vor.u32 $0x2, v0;
	v6 =	vadd.s32 $0x1, v1;
	v7 =	vadd.s32 $0x2, v1;
	s10 =	simm.s32 $0xDB80;
	s9 =	smax.u32 s9, $0x1  }
.LBB2_1:
0xe: {  	[tilespmem:s10], [sflag:$0x1] =	stream.linear.gather [hbm4b:s1+s4], $0x2000, $0x38;
	[tilespmem:$0x12200] =	vst v63  }
0xf: {  	_ =	swait.ge [sflag:s11], $0x2000  }
0x10: {  	[sflag:s11] =	ssyncset.done $0x0  }
0x11: {  	[sflag:s11] =	ssyncadd.s32 $0xFFFFE000  }
0x12: {  	[tilespmem:s12], [sflag:$0x1] =	stream.linear.gather [hbm4b:s2+s4], $0x1000, $0x38;
	[tilespmem:$0x12200] =	vst v63  }
0x13: {  	_ =	swait.ge [sflag:s11], $0x1000  }
0x14: {  	[sflag:s11] =	ssyncset.done $0x0  }
0x15: {  	[sflag:s11] =	ssyncadd.s32 $0xFFFFF000  }
0x16: {  	[tilespmem:s13], [sflag:$0x1] =	stream.linear.gather [hbm4b:s3+s4], $0x1000, $0x38;
	[tilespmem:$0x12200] =	vst v63  }
0x17: {  	_ =	swait.ge [sflag:s11], $0x1000  }
0x18: {  	[sflag:s11] =	ssyncset.done $0x0  }
0x19: {  	s19 =	simm.s32 $0x0;
	[sflag:s11] =	ssyncadd.s32 $0xFFFFF000  }
.LBB2_2:
0x1a: {  	p0 =	sne.s32 s19, $0x17C0  }
.Ltmp0:
0x1b: {  	_ = 	snop;
	(pc) =	sbr.rel @p0 .LBB2_2-.Ltmp0, $3  }
0x1c: {  	_ =	sdelay $0x1  }
0x1d: {  	s20 =	sshra.s32 s19, $0x2  }
0x1e: {  	s19 =	sadd.s32 $0x40, s19;
	[tilespmem:s20+$0x11C00] =	vst v2  }
0x1f: {  	s19 =	simm.s32 $0x0  }
0x20: {  	v8 =	vld [tilespmem:s19+$0x10B80]  }
0x21: {  	s19 =	simm.s32 $0x40  }
.LBB2_4:
0x22: {  	p0 =	sne.s32 s19, $0x3FC0;
	_ =	sdelay $0x2  }
0x23: {  	v8 =	vmul.u32 $0x3, v8;
	_ =	sdelay $0x1  }
0x24: {  	v9 =	vadd.s32 v0, v8  }
0x25: {  	v10 =	vadd.s32 v4, v8  }
0x26: {  	v8 =	vadd.s32 v5, v8;
	_ =	sdelay $0x2  }
.Ltmp1:
0x27: {  	[tilespmem:v9+s14+$0x0] =	vst.idx.add.f32.msk $0xffff, v3;
	(pc) =	sbr.rel @p0 .LBB2_4-.Ltmp1, $4  }
0x28: {  	[tilespmem:v10+s14+$0x0] =	vst.idx.add.f32.msk $0xffff, v3  }
0x29: {  	s20 =	sshra.s32 s19, $0x2;
	[tilespmem:v8+s14+$0x0] =	vst.idx.add.f32.msk $0xffff, v3  }
0x2a: {  	v8 =	vld [tilespmem:s20+$0x10B80]  }
0x2b: {  	s19 =	sadd.s32 $0x40, s19  }
0x2c: {  	_ =	sdelay $0x2  }
0x2d: {  	v8 =	vmul.u32 $0x3, v8;
	_ =	sdelay $0x1  }
0x2e: {  	v9 =	vadd.s32 v0, v8  }
0x2f: {  	v10 =	vadd.s32 v4, v8  }
0x30: {  	v8 =	vadd.s32 v5, v8;
	_ =	sdelay $0x2  }
0x31: {  	[tilespmem:v9+s14+$0x0] =	vst.idx.add.f32.msk $0xffff, v3  }
0x32: {  	[tilespmem:v10+s14+$0x0] =	vst.idx.add.f32.msk $0xffff, v3  }
0x33: {  	[tilespmem:v8+s14+$0x0] =	vst.idx.add.f32.msk $0xffff, v3  }
0x34: {  	v8 =	vld [tilespmem:$0x11C00]  }
0x35: {  	v9 =	vld [tilespmem:$0x11C60]  }
0x36: {  	v10 =	vld [tilespmem:$0x11CC0]  }
0x37: {  	v11 =	vld [tilespmem:$0x11D20]  }
0x38: {  	v12 =	vld [tilespmem:$0x11D80]  }
0x39: {  	v13 =	vld [tilespmem:$0x11DE0]  }
0x3a: {  	v14 =	vld [tilespmem:$0x11E40]  }
0x3b: {  	v15 =	vld [tilespmem:$0x11EA0]  }
0x3c: {  	v16 =	vld [tilespmem:$0x11F00]  }
0x3d: {  	v17 =	vld [tilespmem:$0x11F60]  }
0x3e: {  	v18 =	vld [tilespmem:$0x11FC0]  }
0x3f: {  	v19 =	vld [tilespmem:$0x12020]  }
0x40: {  	v20 =	vld [tilespmem:$0x12080]  }
0x41: {  	v21 =	vld [tilespmem:$0x120E0]  }
0x42: {  	v22 =	vld [tilespmem:$0x12140]  }
0x43: {  	v23 =	vld [tilespmem:$0x121A0]  }
0x44: {  	v24 =	vld [tilespmem:$0x11C10]  }
0x45: {  	v25 =	vld [tilespmem:$0x11C70]  }
0x46: {  	v26 =	vld [tilespmem:$0x11CD0]  }
0x47: {  	v27 =	vld [tilespmem:$0x11D30]  }
0x48: {  	v28 =	vld [tilespmem:$0x11D90]  }
0x49: {  	v29 =	vld [tilespmem:$0x11DF0]  }
0x4a: {  	v30 =	vld [tilespmem:$0x11E50]  }
0x4b: {  	v31 =	vld [tilespmem:$0x11EB0]  }
0x4c: {  	v32 =	vld [tilespmem:$0x11F10]  }
0x4d: {  	v33 =	vld [tilespmem:$0x11F70]  }
0x4e: {  	v34 =	vld [tilespmem:$0x11FD0]  }
0x4f: {  	v35 =	vld [tilespmem:$0x12030]  }
0x50: {  	v36 =	vld [tilespmem:$0x12090]  }
0x51: {  	v37 =	vld [tilespmem:$0x120F0]  }
0x52: {  	v38 =	vld [tilespmem:$0x12150]  }
0x53: {  	v39 =	vld [tilespmem:$0x121B0]  }
0x54: {  	v40 =	vld [tilespmem:$0x11C20]  }
0x55: {  	v41 =	vld [tilespmem:$0x11C80]  }
0x56: {  	v42 =	vld [tilespmem:$0x11CE0]  }
0x57: {  	v43 =	vld [tilespmem:$0x11D40]  }
0x58: {  	v44 =	vld [tilespmem:$0x11DA0]  }
0x59: {  	v45 =	vld [tilespmem:$0x11E00]  }
0x5a: {  	v46 =	vld [tilespmem:$0x11E60]  }
0x5b: {  	v59 =	vld [tilespmem:$0x11C30];
	v8 =	vadd.f32 $0.0e+00, v8  }
0x5c: {  	v60 =	vld [tilespmem:$0x11C90]  }
0x5d: {  	v61 =	vld [tilespmem:$0x11CF0];
	v8 =	vadd.f32 v9, v8  }
0x5e: {  	v62 =	vld [tilespmem:$0x11D50];
	v24 =	vadd.f32 $0.0e+00, v24  }
0x5f: {  	v63 =	vld [tilespmem:$0x11DB0];
	v8 =	vadd.f32 v10, v8  }
0x60: {  	v47 =	vld [tilespmem:$0x11ED0];
	v24 =	vadd.f32 v25, v24  }
0x61: {  	v48 =	vld [tilespmem:$0x11F30];
	v8 =	vadd.f32 v11, v8  }
0x62: {  	v49 =	vld [tilespmem:$0x11C40];
	v24 =	vadd.f32 v26, v24  }
0x63: {  	v50 =	vld [tilespmem:$0x11C50];
	v8 =	vadd.f32 v12, v8  }
0x64: {  	v51 =	vld [tilespmem:$0x11CA0];
	v24 =	vadd.f32 v27, v24  }
0x65: {  	v53 =	vld [tilespmem:$0x11CB0];
	v13 =	vadd.f32 v13, v8  }
0x66: {  	v54 =	vld [tilespmem:$0x11D00];
	v24 =	vadd.f32 v28, v24  }
0x67: {  	v55 =	vld [tilespmem:$0x11D10];
	v13 =	vadd.f32 v14, v13  }
0x68: {  	v56 =	vld [tilespmem:$0x11D60];
	v24 =	vadd.f32 v29, v24  }
0x69: {  	v57 =	vld [tilespmem:$0x11D70];
	v13 =	vadd.f32 v15, v13  }
0x6a: {  	v58 =	vld [tilespmem:$0x11DC0];
	v24 =	vadd.f32 v30, v24  }
0x6b: {  	v52 =	vadd.f32 $0.0e+00, v40;
	v40 =	vld [tilespmem:$0x11EE0];
	v13 =	vadd.f32 v16, v13  }
0x6c: {  	v9 =	vld [tilespmem:$0x11EC0];
	v24 =	vadd.f32 v31, v24  }
0x6d: {  	v25 =	vld [tilespmem:$0x11F20];
	v13 =	vadd.f32 v17, v13  }
0x6e: {  	v10 =	vld [tilespmem:$0x11F80];
	v24 =	vadd.f32 v32, v24  }
0x6f: {  	v26 =	vld [tilespmem:$0x11FE0];
	v13 =	vadd.f32 v18, v13  }
0x70: {  	v11 =	vld [tilespmem:$0x12040];
	v24 =	vadd.f32 v33, v24  }
0x71: {  	v27 =	vld [tilespmem:$0x120A0];
	v29 =	vadd.f32 $0.0e+00, v59;
	v13 =	vadd.f32 v19, v13  }
0x72: {  	v12 =	vld [tilespmem:$0x12100];
	v24 =	vadd.f32 v34, v24  }
0x73: {  	v28 =	vld [tilespmem:$0x12160];
	v14 =	vadd.f32 v60, v29;
	v13 =	vadd.f32 v20, v13  }
0x74: {  	v8 =	vld [tilespmem:$0x121C0];
	v24 =	vadd.f32 v35, v24  }
0x75: {  	v59 =	vld [tilespmem:$0x11DD0];
	v14 =	vadd.f32 v61, v14;
	v13 =	vadd.f32 v21, v13  }
0x76: {  	v61 =	vld [tilespmem:$0x11E20];
	v24 =	vadd.f32 v36, v24  }
0x77: {  	v16 =	vld [tilespmem:$0x11E10];
	v14 =	vadd.f32 v62, v14;
	v13 =	vadd.f32 v22, v13  }
0x78: {  	v32 =	vld [tilespmem:$0x11E70];
	v24 =	vadd.f32 v37, v24;
	v37 =	vadd.f32 $0.0e+00, v49  }
0x79: {  	v62 =	vld [tilespmem:$0x11E30];
	v13 =	vadd.f32 v23, v13;
	v23 =	vadd.f32 v41, v52  }
0x7a: {  	v14 =	vadd.f32 v63, v14;
	v63 =	vld [tilespmem:$0x11E80];
	v22 =	vadd.f32 $0.0e+00, v50  }
0x7b: {  	v18 =	vld [tilespmem:$0x11F90];
	v37 =	vadd.f32 v51, v37;
	v23 =	vadd.f32 v42, v23  }
0x7c: {  	v34 =	vld [tilespmem:$0x11FF0];
	v22 =	vadd.f32 v53, v22  }
0x7d: {  	v19 =	vld [tilespmem:$0x12050];
	v37 =	vadd.f32 v54, v37;
	v23 =	vadd.f32 v43, v23  }
0x7e: {  	v14 =	vadd.f32 v16, v14;
	v35 =	vld [tilespmem:$0x120B0];
	v60 =	vadd.f32 v55, v22  }
0x7f: {  	v20 =	vld [tilespmem:$0x12110];
	v29 =	vadd.f32 v56, v37;
	v23 =	vadd.f32 v44, v23  }
0x80: {  	v36 =	vld [tilespmem:$0x12170];
	v24 =	vadd.f32 v38, v24;
	v15 =	vadd.f32 v57, v60  }
0x81: {  	v38 =	vld [tilespmem:$0x11E90];
	v29 =	vadd.f32 v58, v29;
	v23 =	vadd.f32 v45, v23  }
0x82: {  	v14 =	vadd.f32 v32, v14;
	v21 =	vld [tilespmem:$0x121D0];
	v15 =	vadd.f32 v59, v15  }
0x83: {  	v41 =	vld [tilespmem:$0x11EF0];
	v22 =	vadd.f32 v61, v29;
	v23 =	vadd.f32 v46, v23  }
0x84: {  	v14 =	vadd.f32 v47, v14;
	v42 =	vld [tilespmem:$0x11F40];
	v15 =	vadd.f32 v62, v15  }
0x85: {  	v43 =	vld [tilespmem:$0x11F50];
	v22 =	vadd.f32 v63, v22;
	v9 =	vadd.f32 v9, v23  }
0x86: {  	v14 =	vadd.f32 v48, v14;
	v44 =	vld [tilespmem:$0x11FA0];
	v15 =	vadd.f32 v38, v15  }
0x87: {  	v45 =	vld [tilespmem:$0x11FB0];
	v16 =	vadd.f32 v40, v22;
	v9 =	vadd.f32 v25, v9  }
0x88: {  	v14 =	vadd.f32 v18, v14;
	v46 =	vld [tilespmem:$0x12000];
	v15 =	vadd.f32 v41, v15  }
0x89: {  	v48 =	vld [tilespmem:$0x12010];
	v47 =	vadd.f32 v42, v16;
	v9 =	vadd.f32 v10, v9  }
0x8a: {  	v49 =	vld [tilespmem:$0x12060];
	v24 =	vadd.f32 v39, v24;
	v15 =	vadd.f32 v43, v15  }
0x8b: {  	v50 =	vld [tilespmem:$0x12070];
	v10 =	vadd.f32 v44, v47;
	v9 =	vadd.f32 v26, v9  }
0x8c: {  	v51 =	vld [tilespmem:$0x120C0];
	v14 =	vadd.f32 v34, v14;
	v15 =	vadd.f32 v45, v15  }
0x8d: {  	v52 =	vld [tilespmem:$0x120D0];
	v10 =	vadd.f32 v46, v10;
	v9 =	vadd.f32 v11, v9  }
0x8e: {  	v53 =	vld [tilespmem:$0x12120];
	v14 =	vadd.f32 v19, v14;
	v15 =	vadd.f32 v48, v15  }
0x8f: {  	v54 =	vld [tilespmem:$0x12130];
	v10 =	vadd.f32 v49, v10;
	v9 =	vadd.f32 v27, v9  }
0x90: {  	v55 =	vld [tilespmem:$0x12180];
	v14 =	vadd.f32 v35, v14;
	v15 =	vadd.f32 v50, v15  }
0x91: {  	v56 =	vld [tilespmem:$0x12190];
	v10 =	vadd.f32 v51, v10;
	v9 =	vadd.f32 v12, v9  }
0x92: {  	v57 =	vld [tilespmem:$0x121E0];
	v14 =	vadd.f32 v20, v14;
	v11 =	vadd.f32 v52, v15  }
0x93: {  	v58 =	vld [tilespmem:$0x121F0];
	v10 =	vadd.f32 v53, v10;
	v9 =	vadd.f32 v28, v9  }
0x94: {  	v13 =	vmax.f32 v13, $1.000000000e+00;
	v14 =	vadd.f32 v36, v14;
	v11 =	vadd.f32 v54, v11  }
0x95: {  	(erf) = vrcp.f32 v13;
	v59 =	vadd.f32 v55, v10;
	v8 =	vadd.f32 v8, v9  }
0x96: {  	v61 =	vmax.f32 v24, $1.000000000e+00;
	v60 =	vadd.f32 v21, v14;
	v11 =	vadd.f32 v56, v11  }
0x97: {  	(erf) = vrcp.f32 v61;
	v9 =	vadd.f32 v57, v59;
	v8 =	vmax.f32 v8, $1.000000000e+00  }
0x98: {  	v10 =	vmax.f32 v60, $1.000000000e+00;
	(erf) = vrcp.f32 v8;
	v8 =	vadd.f32 v58, v11  }
0x99: {  	v9 =	vmax.f32 v9, $1.000000000e+00;
	(erf) = vrcp.f32 v10  }
0x9a: {  	(erf) = vrcp.f32 v9;
	v8 =	vmax.f32 v8, $1.000000000e+00  }
0x9b: {  	(erf) = vrcp.f32 v8;
	_ =	sdelay $0x3  }
0x9c: {  	v8 =	vpop (erf)  }
0x9d: {  	v62 =	vpop (erf);
	[tilespmem:$0x11B80] =	vst v8  }
0x9e: {  	[tilespmem:$0x11B90] =	vst v62;
	v8 =	vpop (erf)  }
0x9f: {  	v63 =	vpop (erf);
	[tilespmem:$0x11BA0] =	vst v8  }
0xa0: {  	v8 =	vpop (erf);
	[tilespmem:$0x11BB0] =	vst v63  }
0xa1: {  	[tilespmem:$0x11BC0] =	vst v8;
	v8 =	vpop (erf)  }
0xa2: {  	s19 =	simm.s32 $0x0;
	s20 =	simm.s32 $0x0;
	[tilespmem:$0x11BD0] =	vst v8  }
.LBB2_6:
0xa3: {  	s21 =	sadd.s32 s8, s20  }
0xa4: {  	s22 =	sshrl.u32 s21, $0x3  }
0xa5: {  	s31 =	sshll.u32 s20, $0x7;
	s23 =	smul.u32 $0x3D800, s22  }
0xa6: {  	s21 =	sand.u32 $0x380, s31  }
0xa7: {  	s23 =	sor.u32 s21, s23  }
0xa8: {  	s23 =	sshrl.u32 s23, $0x3  }
0xa9: {  	s23 =	sadd.s32 s6, s23  }
0xaa: {  	[tilespmem:s19], [sflag:$0x1] =	stream.strided.gather [hbm4b:s23+s15], $0x7B00, s16, s15, $0x38;
	[tilespmem:$0x12200] =	vst v63  }
0xab: {  	_ =	swait.ge [sflag:s11], $0x7B00  }
0xac: {  	[sflag:s11] =	ssyncset.done $0x0  }
0xad: {  	s23 =	simm.s32 $0x0;
	[sflag:s11] =	ssyncadd.s32 $0xFFFF8500  }
.LBB2_7:
0xae: {  	p0 =	sne.s32 s23, $0x17C0  }
.Ltmp2:
0xaf: {  	_ = 	snop;
	(pc) =	sbr.rel @p0 .LBB2_7-.Ltmp2, $3  }
0xb0: {  	_ =	sdelay $0x1  }
0xb1: {  	s24 =	sshra.s32 s23, $0x2  }
0xb2: {  	s23 =	sadd.s32 $0x40, s23;
	[tilespmem:s24+$0x11C00] =	vst v2  }
0xb3: {  	s23 =	simm.s32 $0xDB80  }
0xb4: {  	v8 =	vld [tilespmem:s23+$0x0];
	_ =	sdelay $0x4  }
0xb5: {  	v8 =	vmul.u32 $0x3, v8;
	_ =	sdelay $0x4  }
0xb6: {  	s24 =	simm.s32 $0x0  }
0xb7: {  	v10 =	vadd.s32 s24, v1;
	v9 =	vld.idx.msk [tilespmem:v8+s24+$0x0], $0xffff  }
0xb8: {  	v11 =	vadd.s32 $0x1, v8;
	_ =	sdelay $0x3  }
0xb9: {  	[tilespmem:v10+s17+$0x0] =	vst.idx.msk $0xffff, v9  }
0xba: {  	v10 =	vadd.s32 s24, v6;
	v9 =	vld.idx.msk [tilespmem:v11+s24+$0x0], $0xffff  }
0xbb: {  	v8 =	vadd.s32 $0x2, v8;
	_ =	sdelay $0x3  }
0xbc: {  	[tilespmem:v10+s17+$0x0] =	vst.idx.msk $0xffff, v9  }
0xbd: {  	s25 =	simm.s32 $0x30;
	v9 =	vadd.s32 s24, v7;
	v8 =	vld.idx.msk [tilespmem:v8+s24+$0x0], $0xffff  }
.LBB2_9:
0xbe: {  	_ =	sdelay $0x2  }
0xbf: {  	p0 =	sne.s32 s25, $0x5FD0  }
0xc0: {  	s23 =	sadd.s32 $0x10, s23;
	s26 =	smov.u32 s25;
	s25 =	sadd.s32 $0x30, s25;
	[tilespmem:v9+s17+$0x0] =	vst.idx.msk $0xffff, v8  }
0xc1: {  	v8 =	vld [tilespmem:s23+$0x0];
	_ =	sdelay $0x4  }
0xc2: {  	v8 =	vmul.u32 $0x3, v8;
	_ =	sdelay $0x5  }
0xc3: {  	v9 =	vld.idx.msk [tilespmem:v8+s24+$0x0], $0xffff  }
0xc4: {  	v10 =	vadd.s32 s26, v1  }
0xc5: {  	v11 =	vadd.s32 $0x1, v8;
	_ =	sdelay $0x3  }
0xc6: {  	[tilespmem:v10+s17+$0x0] =	vst.idx.msk $0xffff, v9  }
0xc7: {  	v9 =	vld.idx.msk [tilespmem:v11+s24+$0x0], $0xffff  }
0xc8: {  	v10 =	vadd.s32 s26, v6  }
0xc9: {  	v8 =	vadd.s32 $0x2, v8;
	_ =	sdelay $0x1  }
.Ltmp3:
0xca: {  	(pc) =	sbr.rel @p0 .LBB2_9-.Ltmp3, $4  }
0xcb: {  	_ = 	snop  }
0xcc: {  	[tilespmem:v10+s17+$0x0] =	vst.idx.msk $0xffff, v9  }
0xcd: {  	v8 =	vld.idx.msk [tilespmem:v8+s24+$0x0], $0xffff  }
0xce: {  	v9 =	vadd.s32 s26, v7  }
0xcf: {  	_ =	sdelay $0x3  }
0xd0: {  	s23 =	simm.s32 $0x0;
	[tilespmem:v9+s17+$0x0] =	vst.idx.msk $0xffff, v8  }
0xd1: {  	v8 =	vld [tilespmem:s23+$0xFB80];
	_ =	sdelay $0x3  }
0xd2: {  	v9 =	vld [tilespmem:s23+$0x10B80]  }
0xd3: {  	v8 =	vmul.u32 $0x3, v8;
	_ =	sdelay $0x3  }
0xd4: {  	v9 =	vmul.u32 $0x3, v9;
	_ =	sdelay $0x1  }
0xd5: {  	v11 =	vadd.s32 v0, v9;
	v10 =	vld.idx.msk [tilespmem:v8+s4+$0x0], $0xffff  }
0xd6: {  	v12 =	vadd.s32 $0x1, v8;
	_ =	sdelay $0x3  }
0xd7: {  	[tilespmem:v11+s14+$0x0] =	vst.idx.add.f32.msk $0xffff, v10  }
0xd8: {  	v11 =	vadd.s32 v4, v9;
	v10 =	vld.idx.msk [tilespmem:v12+s4+$0x0], $0xffff  }
0xd9: {  	v8 =	vadd.s32 $0x2, v8;
	_ =	sdelay $0x3  }
0xda: {  	[tilespmem:v11+s14+$0x0] =	vst.idx.add.f32.msk $0xffff, v10  }
0xdb: {  	s24 =	simm.s32 $0x80;
	s23 =	simm.s32 $0x40;
	v9 =	vadd.s32 v5, v9;
	v8 =	vld.idx.msk [tilespmem:v8+s4+$0x0], $0xffff  }
.LBB2_11:
0xdc: {  	_ =	sdelay $0x2  }
0xdd: {  	p0 =	sne.s32 s24, $0x3FC0  }
0xde: {  	s25 =	sshra.s32 s23, $0x2;
	s23 =	smov.u32 s24;
	s24 =	sadd.s32 $0x40, s24;
	[tilespmem:v9+s14+$0x0] =	vst.idx.add.f32.msk $0xffff, v8  }
0xdf: {  	v8 =	vld [tilespmem:s25+$0xFB80];
	_ =	sdelay $0x4  }
0xe0: {  	v9 =	vld [tilespmem:s25+$0x10B80];
	v8 =	vmul.u32 $0x3, v8;
	_ =	sdelay $0x4  }
0xe1: {  	v9 =	vmul.u32 $0x3, v9  }
0xe2: {  	v10 =	vld.idx.msk [tilespmem:v8+s4+$0x0], $0xffff  }
0xe3: {  	v11 =	vadd.s32 v0, v9  }
0xe4: {  	v12 =	vadd.s32 $0x1, v8;
	_ =	sdelay $0x3  }
0xe5: {  	[tilespmem:v11+s14+$0x0] =	vst.idx.add.f32.msk $0xffff, v10  }
0xe6: {  	v10 =	vld.idx.msk [tilespmem:v12+s4+$0x0], $0xffff  }
0xe7: {  	v11 =	vadd.s32 v4, v9  }
0xe8: {  	v8 =	vadd.s32 $0x2, v8;
	_ =	sdelay $0x1  }
.Ltmp4:
0xe9: {  	(pc) =	sbr.rel @p0 .LBB2_11-.Ltmp4, $4  }
0xea: {  	_ = 	snop  }
0xeb: {  	[tilespmem:v11+s14+$0x0] =	vst.idx.add.f32.msk $0xffff, v10  }
0xec: {  	v8 =	vld.idx.msk [tilespmem:v8+s4+$0x0], $0xffff  }
0xed: {  	v9 =	vadd.s32 v5, v9  }
0xee: {  	_ =	sdelay $0x3  }
0xef: {  	s23 =	sshra.s32 s23, $0x2;
	[tilespmem:v9+s14+$0x0] =	vst.idx.add.f32.msk $0xffff, v8  }
0xf0: {  	v8 =	vld [tilespmem:s23+$0xFB80];
	_ =	sdelay $0x3  }
0xf1: {  	v9 =	vld [tilespmem:s23+$0x10B80]  }
0xf2: {  	v8 =	vmul.u32 $0x3, v8;
	_ =	sdelay $0x3  }
0xf3: {  	v9 =	vmul.u32 $0x3, v9;
	_ =	sdelay $0x1  }
0xf4: {  	v11 =	vadd.s32 v0, v9;
	v10 =	vld.idx.msk [tilespmem:v8+s4+$0x0], $0xffff  }
0xf5: {  	v12 =	vadd.s32 $0x1, v8;
	_ =	sdelay $0x3  }
0xf6: {  	[tilespmem:v11+s14+$0x0] =	vst.idx.add.f32.msk $0xffff, v10  }
0xf7: {  	v62 =	vadd.s32 v4, v9;
	v10 =	vld.idx.msk [tilespmem:v12+s4+$0x0], $0xffff  }
0xf8: {  	v8 =	vadd.s32 $0x2, v8;
	_ =	sdelay $0x3  }
0xf9: {  	[tilespmem:v62+s14+$0x0] =	vst.idx.add.f32.msk $0xffff, v10  }
0xfa: {  	v9 =	vadd.s32 v5, v9;
	v8 =	vld.idx.msk [tilespmem:v8+s4+$0x0], $0xffff;
	_ =	sdelay $0x4  }
0xfb: {  	[tilespmem:v9+s14+$0x0] =	vst.idx.add.f32.msk $0xffff, v8  }
0xfc: {  	v10 =	vld [tilespmem:$0x11C00]  }
0xfd: {  	v11 =	vld [tilespmem:$0x11C60]  }
0xfe: {  	v63 =	vld [tilespmem:$0x11CC0]  }
0xff: {  	v13 =	vld [tilespmem:$0x11D20]  }
0x100: {  	v14 =	vld [tilespmem:$0x11D80]  }
0x101: {  	v15 =	vld [tilespmem:$0x11DE0]  }
0x102: {  	v16 =	vld [tilespmem:$0x11E40]  }
0x103: {  	v17 =	vld [tilespmem:$0x11EA0]  }
0x104: {  	v18 =	vld [tilespmem:$0x11F00]  }
0x105: {  	v19 =	vld [tilespmem:$0x11F60]  }
0x106: {  	v20 =	vld [tilespmem:$0x11FC0]  }
0x107: {  	v21 =	vld [tilespmem:$0x12020]  }
0x108: {  	v22 =	vld [tilespmem:$0x12080]  }
0x109: {  	v23 =	vld [tilespmem:$0x120E0]  }
0x10a: {  	v24 =	vld [tilespmem:$0x12140]  }
0x10b: {  	v25 =	vld [tilespmem:$0x121A0]  }
0x10c: {  	v8 =	vld [tilespmem:$0x11B80]  }
0x10d: {  	v26 =	vld [tilespmem:$0x11C10]  }
0x10e: {  	v27 =	vld [tilespmem:$0x11C70]  }
0x10f: {  	v28 =	vld [tilespmem:$0x11CD0]  }
0x110: {  	v29 =	vld [tilespmem:$0x11D30]  }
0x111: {  	v30 =	vld [tilespmem:$0x11D90]  }
0x112: {  	v31 =	vld [tilespmem:$0x11DF0]  }
0x113: {  	v32 =	vld [tilespmem:$0x11E50]  }
0x114: {  	v33 =	vld [tilespmem:$0x11EB0]  }
0x115: {  	v34 =	vld [tilespmem:$0x11F10]  }
0x116: {  	v35 =	vld [tilespmem:$0x11F70]  }
0x117: {  	v36 =	vld [tilespmem:$0x11FD0]  }
0x118: {  	v37 =	vld [tilespmem:$0x12030]  }
0x119: {  	v38 =	vld [tilespmem:$0x12090]  }
0x11a: {  	v39 =	vld [tilespmem:$0x120F0]  }
0x11b: {  	v40 =	vld [tilespmem:$0x12150]  }
0x11c: {  	v41 =	vld [tilespmem:$0x121B0]  }
0x11d: {  	v9 =	vld [tilespmem:$0x11B90]  }
0x11e: {  	v42 =	vld [tilespmem:$0x11C20]  }
0x11f: {  	v43 =	vld [tilespmem:$0x11C80]  }
0x120: {  	v44 =	vld [tilespmem:$0x11CE0]  }
0x121: {  	v45 =	vld [tilespmem:$0x11D40]  }
0x122: {  	v46 =	vld [tilespmem:$0x11DA0]  }
0x123: {  	v47 =	vld [tilespmem:$0x11E00]  }
0x124: {  	v48 =	vld [tilespmem:$0x11E60]  }
0x125: {  	v49 =	vld [tilespmem:$0x11EC0]  }
0x126: {  	v50 =	vld [tilespmem:$0x11F20]  }
0x127: {  	v51 =	vld [tilespmem:$0x11F80]  }
0x128: {  	v12 =	vld [tilespmem:$0x12160];
	v10 =	vadd.f32 $0.0e+00, v10  }
0x129: {  	v55 =	vld [tilespmem:$0x11C30]  }
0x12a: {  	v56 =	vld [tilespmem:$0x11C90];
	v10 =	vadd.f32 v11, v10  }
0x12b: {  	v57 =	vld [tilespmem:$0x11CF0]  }
0x12c: {  	v58 =	vld [tilespmem:$0x11C40];
	v26 =	vadd.f32 $0.0e+00, v26;
	v10 =	vadd.f32 v63, v10  }
0x12d: {  	v59 =	vld [tilespmem:$0x11C50]  }
0x12e: {  	v60 =	vld [tilespmem:$0x11CA0];
	v54 =	vadd.f32 v27, v26;
	v10 =	vadd.f32 v13, v10  }
0x12f: {  	v62 =	vld [tilespmem:$0x11CB0]  }
0x130: {  	v52 =	vld [tilespmem:$0x11D10];
	v11 =	vadd.f32 v28, v54;
	v14 =	vadd.f32 v14, v10  }
0x131: {  	v53 =	vld [tilespmem:$0x11D60];
	v61 =	vadd.f32 $0.0e+00, v42  }
0x132: {  	v42 =	vld [tilespmem:$0x12000];
	v29 =	vadd.f32 v29, v11;
	v14 =	vadd.f32 v15, v14  }
0x133: {  	v26 =	vld [tilespmem:$0x11FE0]  }
0x134: {  	v27 =	vld [tilespmem:$0x12040];
	v29 =	vadd.f32 v30, v29;
	v14 =	vadd.f32 v16, v14  }
0x135: {  	v28 =	vld [tilespmem:$0x120A0]  }
0x136: {  	v63 =	vld [tilespmem:$0x11D00];
	v29 =	vadd.f32 v31, v29;
	v14 =	vadd.f32 v17, v14  }
0x137: {  	v54 =	vld [tilespmem:$0x11D70]  }
0x138: {  	v13 =	vld [tilespmem:$0x12100];
	v29 =	vadd.f32 v32, v29;
	v14 =	vadd.f32 v18, v14  }
0x139: {  	v11 =	vld [tilespmem:$0x121C0]  }
0x13a: {  	v10 =	vld [tilespmem:$0x11BA0];
	v29 =	vadd.f32 v33, v29;
	v14 =	vadd.f32 v19, v14  }
0x13b: {  	v31 =	vld [tilespmem:$0x11D50];
	v15 =	vadd.f32 $0.0e+00, v55  }
0x13c: {  	v32 =	vld [tilespmem:$0x11E10];
	v29 =	vadd.f32 v34, v29;
	v14 =	vadd.f32 v20, v14  }
0x13d: {  	v15 =	vadd.f32 v56, v15;
	v56 =	vld [tilespmem:$0x11DC0]  }
0x13e: {  	v17 =	vld [tilespmem:$0x11DB0];
	v29 =	vadd.f32 v35, v29;
	v14 =	vadd.f32 v21, v14  }
0x13f: {  	v33 =	vld [tilespmem:$0x11ED0];
	v15 =	vadd.f32 v57, v15  }
0x140: {  	v57 =	vld [tilespmem:$0x11DD0];
	v29 =	vadd.f32 v36, v29;
	v14 =	vadd.f32 v22, v14  }
0x141: {  	v18 =	vld [tilespmem:$0x11E70];
	v15 =	vadd.f32 v31, v15  }
0x142: {  	v34 =	vld [tilespmem:$0x11F90];
	v29 =	vadd.f32 v37, v29;
	v14 =	vadd.f32 v23, v14  }
0x143: {  	v19 =	vld [tilespmem:$0x11F30];
	v15 =	vadd.f32 v17, v15  }
0x144: {  	v35 =	vld [tilespmem:$0x12050];
	v29 =	vadd.f32 v38, v29;
	v14 =	vadd.f32 v24, v14  }
0x145: {  	v20 =	vld [tilespmem:$0x11FF0];
	v38 =	vadd.f32 $0.0e+00, v58;
	v24 =	vadd.f32 $0.0e+00, v59  }
0x146: {  	v36 =	vld [tilespmem:$0x12110];
	v14 =	vadd.f32 v25, v14;
	v25 =	vadd.f32 v43, v61  }
0x147: {  	v15 =	vadd.f32 v32, v15;
	v21 =	vld [tilespmem:$0x120B0];
	v55 =	vadd.f32 v62, v24  }
0x148: {  	v37 =	vld [tilespmem:$0x121D0];
	v38 =	vadd.f32 v60, v38;
	v25 =	vadd.f32 v44, v25  }
0x149: {  	v15 =	vadd.f32 v18, v15;
	v22 =	vld [tilespmem:$0x12170];
	v16 =	vadd.f32 v52, v55  }
0x14a: {  	v38 =	vadd.f32 v63, v38;
	v59 =	vld [tilespmem:$0x11E30];
	v25 =	vadd.f32 v45, v25  }
0x14b: {  	v58 =	vld [tilespmem:$0x11E20];
	v15 =	vadd.f32 v33, v15;
	v16 =	vadd.f32 v54, v16  }
0x14c: {  	v30 =	vadd.f32 v53, v38;
	v61 =	vld [tilespmem:$0x11E90];
	v25 =	vadd.f32 v46, v25  }
0x14d: {  	v29 =	vadd.f32 v39, v29;
	v60 =	vld [tilespmem:$0x11E80];
	v16 =	vadd.f32 v57, v16  }
0x14e: {  	v63 =	vld [tilespmem:$0x11EF0];
	v24 =	vadd.f32 v56, v30;
	v25 =	vadd.f32 v47, v25  }
0x14f: {  	v29 =	vadd.f32 v40, v29;
	v62 =	vld [tilespmem:$0x11EE0];
	v16 =	vadd.f32 v59, v16  }
0x150: {  	v39 =	vld [tilespmem:$0x11F50];
	v24 =	vadd.f32 v58, v24;
	v25 =	vadd.f32 v48, v25  }
0x151: {  	v29 =	vadd.f32 v41, v29;
	v38 =	vld [tilespmem:$0x11F40];
	v16 =	vadd.f32 v61, v16  }
0x152: {  	v41 =	vld [tilespmem:$0x11FB0];
	v17 =	vadd.f32 v60, v24;
	v25 =	vadd.f32 v49, v25  }
0x153: {  	v15 =	vadd.f32 v19, v15;
	v40 =	vld [tilespmem:$0x11FA0];
	v16 =	vadd.f32 v63, v16  }
0x154: {  	v43 =	vld [tilespmem:$0x12010];
	v17 =	vadd.f32 v62, v17;
	v25 =	vadd.f32 v50, v25  }
0x155: {  	v23 =	vld [tilespmem:$0x11BB0];
	v15 =	vadd.f32 v34, v15;
	v16 =	vadd.f32 v39, v16  }
0x156: {  	v45 =	vld [tilespmem:$0x12070];
	v17 =	vadd.f32 v38, v17;
	v25 =	vadd.f32 v51, v25  }
0x157: {  	v15 =	vadd.f32 v20, v15;
	v44 =	vld [tilespmem:$0x12060];
	v16 =	vadd.f32 v41, v16  }
0x158: {  	v47 =	vld [tilespmem:$0x120D0];
	v17 =	vadd.f32 v40, v17;
	v25 =	vadd.f32 v26, v25  }
0x159: {  	v15 =	vadd.f32 v35, v15;
	v46 =	vld [tilespmem:$0x120C0];
	v16 =	vadd.f32 v43, v16  }
0x15a: {  	v49 =	vld [tilespmem:$0x12130];
	v17 =	vadd.f32 v42, v17;
	v25 =	vadd.f32 v27, v25  }
0x15b: {  	v15 =	vadd.f32 v21, v15;
	v48 =	vld [tilespmem:$0x12120];
	v16 =	vadd.f32 v45, v16  }
0x15c: {  	v17 =	vadd.f32 v44, v17;
	v51 =	vld [tilespmem:$0x12190];
	v25 =	vadd.f32 v28, v25  }
0x15d: {  	v15 =	vadd.f32 v36, v15;
	v50 =	vld [tilespmem:$0x12180];
	v16 =	vadd.f32 v47, v16  }
0x15e: {  	v54 =	vld [tilespmem:$0x121F0];
	v17 =	vadd.f32 v46, v17;
	v13 =	vadd.f32 v13, v25  }
0x15f: {  	v52 =	vld [tilespmem:$0x121E0];
	v15 =	vadd.f32 v22, v15;
	v16 =	vadd.f32 v49, v16  }
0x160: {  	v57 =	vld [tilespmem:$0x11BD0];
	v53 =	vadd.f32 v48, v17;
	v12 =	vadd.f32 v12, v13  }
0x161: {  	v55 =	vld [tilespmem:$0x11BC0];
	v8 =	vmul.f32 v8, v14;
	v58 =	vadd.f32 v37, v15;
	v59 =	vadd.f32 v51, v16  }
0x162: {  	v9 =	vmul.f32 v9, v29;
	v56 =	vadd.f32 v50, v53;
	v11 =	vadd.f32 v11, v12  }
0x163: {  	[tilespmem:$0xDB00] =	vst v8;
	v61 =	vmul.f32 v23, v58;
	v62 =	vadd.f32 v54, v59  }
0x164: {  	s22 =	smul.u32 $0x30400, s22;
	[tilespmem:$0xDB10] =	vst v9;
	v60 =	vadd.f32 v52, v56;
	v8 =	vmul.f32 v10, v11  }
0x165: {  	[tilespmem:$0xDB30] =	vst v61;
	v63 =	vmul.f32 v57, v62  }
0x166: {  	s20 =	sadd.s32 $0x1, s20;
	s21 =	sor.u32 s21, s22;
	[tilespmem:$0xDB20] =	vst v8;
	v8 =	vmul.f32 v55, v60  }
0x167: {  	p0 =	sne.s32 s20, $0x20;
	s21 =	sshrl.u32 s21, $0x3;
	[tilespmem:$0xDB50] =	vst v63  }
.Ltmp5:
0x168: {  	s21 =	sadd.s32 s7, s21;
	[tilespmem:$0xDB40] =	vst v8;
	(pc) =	sbr.rel @p0 .LBB2_6-.Ltmp5, $4  }
0x169: {  	[hbm4b:s21+s15] =	stream.strided.scatter [tilespmem:s17], [sflag:$0x1], $0x6080, s16, s15, $0x38;
	[tilespmem:$0x12200] =	vst v63  }
0x16a: {  	_ =	swait.ge [sflag:s11], $0x6080  }
0x16b: {  	[sflag:s11] =	ssyncset.done $0x0  }
0x16c: {  	[sflag:s11] =	ssyncadd.s32 $0xFFFF9F80  }
0x16d: {  	s18 =	sadd.s32 $0x1, s18  }
0x16e: {  	p0 =	sne.s32 s18, s9  }
.Ltmp6:
0x16f: {  	_ = 	snop;
	(pc) =	sbr.rel @p0 .LBB2_1-.Ltmp6, $1  }
0x170: {  	_ =	sdelay $0x3  }
0x171: {  	_ =	sfence.sel $0x180000  }
0x172: {  	[bflag:$0x0] =	sbarrier.arrive $0xFFFF  }
0x173: {  	p0 =	sne.s32 s5, $0x0;
	_ =	strace $0x90000047  }
0x174: {  	s0 =	sadd.s32 @!p0 $0x100000, s0;
	[bflag:$0x2] =	sbarrier.arrive $0xFFFF  }
0x175: {  	[sflag:s0] =	ssyncadd.tile.s32 @!p0 $0x1;
	_ =	shalt  }
.Lfunc_end2:
_tile_overlayer_lowered:
.L_overlay_start_2:
0x176: {  	(tag) =	ssettag $0x2  }
0x177: {  	s0 =	rddreg [dreg:$0x0];
	s2 =	stileid.u32  }
0x178: {  	s1 =	rddreg [dreg:$0x1];
	p0 =	sne.s32 s2, $0x0  }
0x179: {  	s3 =	rddreg [dreg:$0x2];
	[bflag:$0x3] =	sbarrier.arrive $0xFFFF;
	s2 =	simm.s32 @!p0 $0x1C01  }
0x17a: {  	[timem:s3], [sflag:s2] =	dma.local @!p0 [hbm:s0], s1  }
0x17b: {  	s0 =	simm.s32 @!p0 $0x1  }
0x17c: {  	_ =	swait.ge @!p0 [sflag:s0], s1  }
0x17d: {  	s1 =	ssub.s32 @!p0 $0x0, s1;
	[sflag:s0] =	ssyncset.done @!p0 $0x0  }
0x17e: {  	[sflag:s0] =	ssyncadd.s32 @!p0 s1  }
0x17f: {  	[bflag:$0x3] =	sbarrier.arrive $0xFFFF  }
0x180: {  	_ =	shalt  }

// kernel: sparse-core-data-format-call.cloned.1.call-start
scs
called_computation_lowered:
.L_overlay_start_0:
0x0: {  	s2 =	sld [smem:$0x3FD9]  }
0x1: {  	s3 =	sld [smem:$0x3FFE];
	_ =	sdelay $0x1  }
0x2: {  	s1 =	srdreg.scid  }
0x3: {  	s0 =	sand.u32 $0x1, s1  }
0x4: {  	s18 =	sshll.u32 s0, $0xA;
	s2 =	sadd.s32 s3, s2  }
0x5: {  	s2 =	sadd.s32 s2, s18  }
0x6: {  	[smem:$0x3FC4] =	sst s2  }
0x7: {  	_ = 	snop  }
0x8: {  	s2 =	sld [smem:$0x3FD0];
	(tm) =	ssettm $0x1  }
0x9: {  	s19 =	sld [smem:$0x3FFB];
	_ =	sdelay $0x3  }
0xa: {  	_ =	strace s19  }
0xb: {  	s3 =	sld [smem:$0x3FFC];
	_ =	sdelay $0x3  }
0xc: {  	_ =	strace s3  }
0xd: {  	s3 =	sld [smem:$0x3FFD];
	_ =	sdelay $0x3  }
0xe: {  	_ =	strace s3  }
0xf: {  	_ =	strace $0x8FFFFFFF  }
0x10: {  	s20 =	sld [smem:$0x3FDB];
	_ =	sdelay $0x1  }
0x11: {  	s4 =	simm.s32 $_scs_section_size  }
0x12: {  	s5 =	simm.s32 $_size__tile_overlayer_lowered;
	s6 =	simm.s32 $_tile_overlayer_lowered  }
0x13: {  	s23 =	simm.s32 $0x1BFF;
	s22 =	sshll.u32 s6, $0x1;
	s3 =	sadd.s32 s4, s20  }
0x14: {  	s7 =	simm.s32 $0x0;
	s21 =	sshll.u32 s5, $0x1;
	s5 =	sadd.s32 s22, s3  }
0x15: {  	[timem:s7], [sflag:s23] =	dma.local [hbm:s5], s21  }
0x16: {  	_ =	swait.ge [sflag:s23], s21  }
0x17: {  	s4 =	ssub.s32 $0x0, s21;
	[sflag:s23] =	ssyncset.done $0x0  }
0x18: {  	[sflag:s23] =	ssyncadd.s32 s4;
	_ =	sdelay $0x1  }
0x19: {  	s24 =	simm.s32 $0x1B8B  }
0x1a: {  	_ =	swait.ge [sflag:s24], $0x1  }
0x1b: {  	[sflag:s24] =	ssyncset.done $0x0  }
0x1c: {  	s26 =	simm.s32 $0x1B8E;
	s25 =	sld [smem:$0x3FFE];
	[sflag:s24] =	ssyncadd.s32 $0xFFFFFFFF  }
0x1d: {  	s27 =	simm.s32 $execute0_lowered;
	[smem:$0x3FD2] =	sst s26  }
0x1e: {  	s5 =	sshll.u32 s27, $0x1;
	_ =	strace $0x80000049;
	[dreg:$0x1] =	wrdreg $0xFFFFFFFF  }
0x1f: {  	s28 =	simm.s32 $_size_execute0_lowered;
	s3 =	sadd.s32 s3, s5;
	[dreg:$0x0] =	wrdreg $0x0  }
0x20: {  	s5 =	sshll.u32 s28, $0x1;
	[dreg:$0x2] =	wrdreg s3  }
0x21: {  	[dreg:$0x3] =	wrdreg s5  }
0x22: {  	[dreg:$0x4] =	wrdreg $0xC0  }
0x23: {  	_ =	task [dreg:s7], $0x5FFFF  }
0x24: {  	[dreg:$0x1] =	wrdreg $0xFFFFFFFF  }
0x25: {  	[dreg:$0x0] =	wrdreg $0x60  }
0x26: {  	[dreg:$0x2] =	wrdreg s25  }
0x27: {  	[dreg:$0x3] =	wrdreg s2  }
0x28: {  	[dreg:$0x4] =	wrdreg $0x9  }
0x29: {  	_ =	task.clear_ibuf [dreg:s7], $0x5FFFF;
	_ =	strace $0x90000049  }
0x2a: {  	s29 =	simm.s32 $0x9;
	_ =	strace $0x8000004B  }
0x2b: {  	_ =	swait.ge [sflag:s29], $0x1  }
0x2c: {  	[sflag:s29] =	ssyncadd.s32 $0xFFFFFFFF  }
0x2d: {  	_ =	strace $0x9000004B  }
0x2e: {  	_ =	sfence  }
0x2f: {  	s30 =	sld [smem:$0x0];
	_ =	sdelay $0x2  }
0x30: {  	s31 =	sshll.u32 s1, $0xD;
	s1 =	sshrl.u32 s1, $0x2  }
0x31: {  	s3 =	sand.u32 $0x4000, s31;
	s1 =	sadd.s32 s1, s30  }
0x32: {  	s0 =	sor.u32 s3, s0;
	s1 =	sshll.u32 s1, $0x11  }
0x33: {  	s0 =	sor.u32 s1, s0  }
0x34: {  	s0 =	sadd.s32 $0x8F2B, s0  }
0x35: {  	[sflag:s0] =	ssyncadd.remote.s32 $0x1  }
0x36: {  	_ =	sfence.sel $0xFFFF  }
0x37: {  	[dreg:$0x0] =	wrdreg $0xFFFFFFFF;
	(pc) =	sbr.abs _section_cstart, $3  }
0x38: {  	[dreg:$0x1] =	wrdreg $0xFFFFFFFF  }
0x39: {  	_ =	task.clear_ibuf [dreg:s7], $0x2FFFF;
	_ =	strace $0x9FFFFFFF  }
0x3a: {  	(tm) =	ssettm $0x7FFFFFFF  }
0x3b: {  	_ =	shalt  }
tec
execute0_lowered:
.L_overlay_start_1:
0x0: {  	(tag) =	ssettag $0x1  }
0x1: {  	s4 =	rddreg [dreg:$0x0]  }
0x2: {  	s0 =	srdreg.scid;
	s2 =	rddreg [dreg:$0x1];
	s10 =	simm.s32 $0x0  }
0x3: {  	s11 =	simm.s32 $0x2;
	s15 =	simm.s32 $0x0;
	s17 =	simm.s32 $0x0  }
0x4: {  	s18 =	simm.s32 $0x0;
	s12 =	simm.s32 $0x0;
	s1 =	sshll.u32 s0, $0x4  }
0x5: {  	s13 =	simm.s32 $0x0;
	s0 =	stileid.u32;
	s1 =	sand.u32 $0x10, s1  }
0x6: {  	s14 =	simm.s32 $0x0;
	s16 =	simm.s32 $0x0;
	s6 =	sor.u32 s0, s1  }
0x7: {  	s3 =	sshll.u32 s0, $0x4;
	s1 =	rddreg [dreg:$0x2];
	s5 =	sshll.u32 s6, $0x5  }
0x8: {  	_ =	strace $0x8000004A;
	s7 =	sand.u32 $0x70, s3;
	s3 =	sand.u32 $0x380, s5  }
0x9: {  	s7 =	sadd.s32 s7, s4;
	s4 =	simm.s32 $0x1;
	s8 =	ssub.s32 $0x400, s3  }
0xa: {  	s30 =	sshll.u32 s6, $0x4;
	s5 =	sand.u32 $0x3, s0;
	s9 =	sand.u32 $0x380, s8  }
0xb: {  	p0 =	seq.s32 s5, $0x3;
	p1 =	sne.s32 s9, $0x0;
	s9 =	simm.s32 $0x1  }
.Ltmp0:
0xc: {  	s8 =	sshrl.u32 s8, $0xA;
	s9 =	simm.s32 @!p1 $0x0;
	(pc) =	sbr.rel .LBB1_1-.Ltmp0, $4  }
0xd: {  	s31 =	sand.u32 $0x180, s30;
	s10 =	simm.s32 @!p0 $0x41;
	s8 =	sadd.s32 s9, s8  }
0xe: {  	[sflag:s4] =	ssyncpa.u1 $0x0;
	s7 =	sadd.s32 s31, s7;
	s6 =	smul.u32 s10, s8  }
0xf: {  	[sflag:s11] =	ssyncpa.u1 $0x0;
	s11 =	simm.s32 $0x0;
	s7 =	sadd.s32 $0x800, s7  }
0x10: {  	s9 =	simm.s32 $0x400;
	s10 =	simm.s32 $0x2000;
	s8 =	sadd.s32 $0x1, s6  }
.LBB1_9:
0x11: {  	s20 =	sshll.u32 s13, $0xA  }
0x12: {  	s18 =	sshll.u32 s18, $0x3;
	s20 =	sand.u32 $0xFFFFE000, s20  }
0x13: {  	s18 =	sor.u32 s20, s18  }
0x14: {  	s18 =	sshrl.u32 s18, $0xA  }
0x15: {  	p0 =	sgt.s32 s12, $0x2;
	s21 =	smov.u32 s12;
	s29 =	smulhi.u32 $0x7F808, s18  }
0x16: {  	s22 =	smul.u32 $0x101000, s12;
	s21 =	simm.s32 @!p0 $0x2  }
0x17: {  	s30 =	sshll.u32 s13, $0x4;
	s21 =	sshll.u32 s21, $0x7;
	s20 =	smul.u32 $0x2020, s29  }
0x18: {  	s31 =	sshll.u32 s16, $0xE;
	s22 =	sadd.s32 s2, s22;
	s21 =	sxor.u32 $0x180, s21  }
0x19: {  	s19 =	smul.u32 s19, s21;
	s18 =	ssub.s32 s18, s20;
	s20 =	sand.u32 $0x70, s30  }
0x1a: {  	s21 =	sand.u32 $0x4000, s31;
	s18 =	sshll.u32 s18, $0x7;
	s20 =	sadd.s32 s20, s22  }
0x1b: {  	s21 =	sor.u32 $0x8000, s21;
	s19 =	sand.u32 $0x3FFFFF80, s19;
	s18 =	sadd.s32 s18, s20  }
0x1c: {  	[hbm4b:s18+s9] =	stream.strided.scatter [tilespmem:s21], [sflag:$0x2], s19, s10, s9, $0x38;
	[tilespmem:$0x10000] =	vst v63  }
.LBB1_10:
0x1d: {  	p0 =	slt.u32 s16, $0x2  }
0x1e: {  	p1 =	sgt.s32 @!p0 s17, $0x1FA0  }
0x1f: {  	s18 =	smov.u32 s17;
	s19 =	sshra.s32 @!p0 s17, $0x1F;
	p1 =	por !p1, p0  }
0x20: {  	p2 =	sgt.s32 @!p0 s15, $0x2;
	s17 =	sand.u32 @!p0 s19, s17;
	s18 =	simm.s32 @p1 $0x1FA0  }
0x21: {  	p1 =	por !p2, p0;
	s17 =	ssub.s32 @!p0 s18, s17  }
0x22: {  	s21 =	sadd.s32 $0x1, s16;
	s15 =	simm.s32 @p1 $0x2;
	s18 =	sadd.s32 @!p0 $0xFFFFE060, s17  }
0x23: {  	s19 =	sadd.s32 $0x80, s14;
	s15 =	sshll.u32 @!p0 s15, $0x7;
	p2 =	sgt.s32 @!p0 s18, $0x7F  }
0x24: {  	s17 =	ssub.s32 @!p0 $0x2020, s17;
	s15 =	ssub.s32 @!p0 $0x180, s15;
	p2 =	por !p2, p0  }
0x25: {  	s15 =	simm.s32 @!p1 $0x0;
	p1 =	sgt.s32 s19, $0x201F;
	s17 =	simm.s32 @!p2 $0x0  }
0x26: {  	s19 =	simm.s32 @p1 $0x0;
	p1 =	sne.s32 s16, s8;
	s15 =	smul.u32 @!p0 s17, s15  }
.Ltmp1:
0x27: {  	s11 =	sadd.s32 $0x4000, s11;
	s18 =	simm.s32 @!p0 $0x2;
	(pc) =	sbr.rel @!p1 .LBB1_11-.Ltmp1, $4  }
0x28: {  	s16 =	smov.u32 s21;
	s17 =	smov.u32 s13;
	s15 =	sand.u32 @!p0 $0x3FFFFF80, s15  }
0x29: {  	s13 =	smov.u32 s14;
	s14 =	smov.u32 s19;
	_ =	swait.ge @!p0 [sflag:s18], s15  }
0x2a: {  	s20 =	ssub.s32 @!p0 $0x0, s15;
	s15 =	smov.u32 s12;
	[sflag:s18] =	ssyncset.done @!p0 $0x0  }
0x2b: {  	s12 =	smov.u32 s5;
	[sflag:s18] =	ssyncadd.s32 @!p0 s20;
	s18 =	smov.u32 s3  }
.LBB1_1:
0x2c: {  	p0 =	sge.u32 s16, s6  }
0x2d: {  	p1 =	sgt.s32 @!p0 s14, $0x1FA0  }
0x2e: {  	s19 =	smov.u32 s14;
	s20 =	sshra.s32 @!p0 s14, $0x1F;
	p1 =	por !p1, p0  }
0x2f: {  	s20 =	sand.u32 @!p0 s20, s14;
	s19 =	simm.s32 @p1 $0x1FA0  }
0x30: {  	s19 =	ssub.s32 @!p0 s19, s20  }
0x31: {  	s31 =	sadd.s32 $0xFFFFFFFF, s16;
	s21 =	sxor.u32 @!p0 $0xFFFFFFFF, s16;
	s19 =	sadd.s32 @!p0 $0xFFFFE060, s19  }
0x32: {  	s22 =	simm.s32 @!p0 $0x80;
	s23 =	simm.s32 @!p0 $0x1000;
	s20 =	sshll.u32 @!p0 s19, $0x7  }
0x33: {  	p1 =	sgt.s32 @!p0 s19, $0x7F;
	s19 =	ssub.s32 @!p0 $0x4000, s20;
	s20 =	sshll.u32 @!p0 s21, $0xE  }
0x34: {  	p1 =	por !p1, p0;
	s21 =	sshll.u32 @!p0 s14, $0x9;
	s19 =	sand.u32 @!p0 $0x3FFFFF80, s19  }
0x35: {  	s20 =	sand.u32 @!p0 $0x4000, s20;
	s21 =	sadd.s32 @!p0 s21, s7;
	s19 =	simm.s32 @!p1 $0x0  }
0x36: {  	[tilespmem:s20], [sflag:$0x1] =	stream.strided.gather @!p0 [hbm4b:s21+s22], s19, s23, s22, $0x38;
	[tilespmem:$0x10000] =	vst v63  }
0x37: {  	p0 =	sge.u32 s31, s6  }
.Ltmp2:
0x38: {  	_ = 	snop;
	(pc) =	sbr.rel @p0 .LBB1_10-.Ltmp2, $1  }
0x39: {  	_ =	sdelay $0x3  }
0x3a: {  	p0 =	sgt.s32 s13, $0x1FA0;
	s19 =	smov.u32 s13;
	s20 =	sshra.s32 s13, $0x1F  }
0x3b: {  	s21 =	sadd.s32 $0x80, s13;
	s19 =	simm.s32 @!p0 $0x1FA0;
	s20 =	sand.u32 s20, s13  }
0x3c: {  	p1 =	slt.s32 s21, $0x2020;
	s19 =	ssub.s32 s19, s20  }
0x3d: {  	s21 =	simm.s32 @!p1 $0x2020;
	s20 =	sadd.s32 $0xFFFFE060, s19  }
0x3e: {  	s19 =	ssub.s32 $0x2020, s19;
	p0 =	sgt.s32 s20, $0x7F;
	s20 =	ssub.s32 s21, s13  }
0x3f: {  	s19 =	simm.s32 @p0 $0x0;
	p0 =	slt.s32 s20, $0x1  }
0x40: {  	p1 =	seq.s32 @!p0 s12, $0x3  }
0x41: {  	p0 =	por p0, p1  }
.Ltmp3:
0x42: {  	s22 =	sshll.u32 s19, $0x7;
	(pc) =	sbr.rel @p0 .LBB1_9-.Ltmp3, $4  }
0x43: {  	s31 =	sand.u32 $0x3FFFFF80, s22  }
0x44: {  	_ =	swait.ge [sflag:s4], s31  }
0x45: {  	s21 =	ssub.s32 $0x0, s31;
	[sflag:s4] =	ssyncset.done $0x0  }
0x46: {  	[sflag:s4] =	ssyncadd.s32 s21  }
0x47: {  	p0 =	slt.s32 s12, $0x2;
	s21 =	smov.u32 s12;
	s22 =	sshll.u32 s11, $0x2  }
0x48: {  	s24 =	simm.s32 $0x0;
	s21 =	simm.s32 @!p0 $0x2;
	s23 =	sand.u32 $0x10000, s22  }
0x49: {  	s31 =	ssub.s32 s21, s12;
	s21 =	sshrl.u32 s23, $0x2;
	s23 =	sshrl.u32 s23, $0x2  }
0x4a: {  	s25 =	simm.s32 $0x0;
	s22 =	sadd.s32 $0x1, s31;
	s23 =	sor.u32 $0x8000, s23  }
.LBB1_4:
0x4b: {  	s26 =	sand.u32 $0x3F80, s24  }
0x4c: {  	s27 =	smov.u32 s21;
	s28 =	simm.s32 $0x0;
	s26 =	sadd.s32 s26, s23  }
.LBB1_5:
0x4d: {  	s29 =	simm.s32 $0xFFFFFFF0;
	s30 =	smov.u32 s27;
	s31 =	smov.u32 s26  }
.LBB1_6:
0x4e: {  	s29 =	sadd.s32 $0x10, s29  }
0x4f: {  	v0 =	vld [tilespmem:s30+$0x0];
	p0 =	slt.u32 s29, $0x70  }
.Ltmp4:
0x50: {  	_ = 	snop;
	(pc) =	sbr.rel @p0 .LBB1_6-.Ltmp4, $2  }
0x51: {  	_ =	sdelay $0x2  }
0x52: {  	s30 =	sadd.s32 $0x10, s30;
	[tilespmem:s31+$0x0] =	vst v0;
	s31 =	sadd.s32 $0x10, s31  }
0x53: {  	s28 =	sadd.s32 $0x1, s28  }
0x54: {  	p0 =	sne.s32 s28, s22  }
.Ltmp5:
0x55: {  	_ = 	snop;
	(pc) =	sbr.rel @p0 .LBB1_5-.Ltmp5, $2  }
0x56: {  	_ =	sdelay $0x2  }
0x57: {  	s26 =	sadd.s32 $0x4000, s26;
	s27 =	sadd.s32 $0x80, s27  }
0x58: {  	s25 =	sadd.s32 $0x1, s25  }
0x59: {  	p0 =	sne.s32 s25, s20  }
.Ltmp6:
0x5a: {  	_ = 	snop;
	(pc) =	sbr.rel @p0 .LBB1_4-.Ltmp6, $4  }
.Ltmp7:
0x5b: {  	_ = 	snop;
	(pc) =	sbr.rel @!p0 .LBB1_9-.Ltmp7, $4  }
0x5c: {  	_ = 	snop  }
0x5d: {  	_ = 	snop  }
0x5e: {  	s24 =	sadd.s32 $0x80, s24;
	s21 =	sadd.s32 $0x80, s21  }
0x5f: {  	_ = 	snop  }
.LBB1_11:
0x60: {  	_ =	sfence.sel $0x180000  }
0x61: {  	s2 =	simm.s32 $0x1;
	[bflag:$0x0] =	sbarrier.arrive $0xFFFF  }
0x62: {  	s31 =	simm.s32 $0x2;
	[sflag:s2] =	ssyncpa.u1 $0x1  }
0x63: {  	[sflag:s31] =	ssyncpa.u1 $0x1  }
0x64: {  	p0 =	sne.s32 s0, $0x0;
	_ =	strace $0x9000004A  }
0x65: {  	s0 =	sadd.s32 @!p0 $0x100000, s1;
	[bflag:$0x2] =	sbarrier.arrive $0xFFFF  }
0x66: {  	[sflag:s0] =	ssyncadd.tile.s32 @!p0 $0x1;
	_ =	shalt  }
.Lfunc_end1:
_tile_overlayer_lowered:
.L_overlay_start_2:
0x67: {  	(tag) =	ssettag $0x2  }
0x68: {  	s0 =	rddreg [dreg:$0x0];
	s2 =	stileid.u32  }
0x69: {  	s1 =	rddreg [dreg:$0x1];
	p0 =	sne.s32 s2, $0x0  }
0x6a: {  	s3 =	rddreg [dreg:$0x2];
	[bflag:$0x3] =	sbarrier.arrive $0xFFFF;
	s2 =	simm.s32 @!p0 $0x1C01  }
0x6b: {  	[timem:s3], [sflag:s2] =	dma.local @!p0 [hbm:s0], s1  }
0x6c: {  	s0 =	simm.s32 @!p0 $0x1  }
0x6d: {  	_ =	swait.ge @!p0 [sflag:s0], s1  }
0x6e: {  	s1 =	ssub.s32 @!p0 $0x0, s1;
	[sflag:s0] =	ssyncset.done @!p0 $0x0  }
0x6f: {  	[sflag:s0] =	ssyncadd.s32 @!p0 s1  }
0x70: {  	[bflag:$0x3] =	sbarrier.arrive $0xFFFF  }
0x71: {  	_ =	shalt  }

</sc_bundles>
